<compile_context>
chip_gen: v7x
topology: tpu7x:2x2x1
jax: 0.10.2.dev20260603
libtpu: 0.0.44.dev20260713+nightly
codegen_flags: <defaults>
</compile_context>

<pallas_src>
import functools

import jax
import jax.numpy as jnp
from jax import lax
from jax.experimental import pallas as pl
from jax.experimental.pallas import tpu as pltpu
from jax.experimental.pallas import tpu_sc as plsc

BATCH = 16384
VOCAB = 100001
EMBED = 64
H1, H2, H3 = 128, 64, 32

NUM_CORES = 2
NUM_SUBCORES = 16
NUM_WORKERS = NUM_CORES * NUM_SUBCORES
ROWS_PER_TILE = EMBED // NUM_WORKERS
IDX_CHUNK = 4096
LANES = 16


def _make_gather():
  mesh = plsc.VectorSubcoreMesh(
      core_axis_name="c", subcore_axis_name="s",
      num_cores=NUM_CORES, num_subcores=NUM_SUBCORES)

  @functools.partial(
      pl.kernel,
      mesh=mesh,
      compiler_params=pltpu.CompilerParams(
          use_tc_tiling_on_sc=True, needs_layout_passes=False),
      out_type=jax.ShapeDtypeStruct((EMBED, BATCH), jnp.float32),
      scratch_types=[
          pltpu.VMEM((VOCAB,), jnp.float32),
          pltpu.VMEM((BATCH,), jnp.int32),
          pltpu.VMEM((2, IDX_CHUNK), jnp.float32),
          pltpu.SemaphoreType.DMA,
      ],
  )
  def gather(tablet_hbm, idx_hbm, out_hbm, row_v, idx_v, out_v, osem):
    tid = lax.axis_index("s") * NUM_CORES + lax.axis_index("c")
    pltpu.sync_copy(idx_hbm, idx_v)
    pending = [None, None]
    for p in range(ROWS_PER_TILE):
      j = tid * ROWS_PER_TILE + p
      pltpu.sync_copy(tablet_hbm.at[j], row_v)
      for c in range(BATCH // IDX_CHUNK):
        buf = c % 2
        if pending[buf] is not None:
          pending[buf].wait()

        @plsc.parallel_loop(0, IDX_CHUNK, step=LANES, unroll=8)
        def gbody(i):
          iv = idx_v[pl.ds(c * IDX_CHUNK + i, LANES)]
          out_v[buf, pl.ds(i, LANES)] = plsc.load_gather(row_v, [iv])

        pending[buf] = pltpu.async_copy(
            out_v.at[buf], out_hbm.at[j, pl.ds(c * IDX_CHUNK, IDX_CHUNK)],
            osem)
    for b in range(2):
      if pending[b] is not None:
        pending[b].wait()

  return gather


_sc_gather = _make_gather()

BLK = 8192


def _mlp_body(embt, w1t, b1, w2t, b2, w3t, b3, out):
  h = jnp.maximum(
      jnp.dot(w1t[...], embt[...], preferred_element_type=jnp.float32)
      + b1[...], 0.0)
  h = jnp.maximum(
      jnp.dot(w2t[...], h, preferred_element_type=jnp.float32) + b2[...], 0.0)
  out[...] = jnp.dot(w3t[...], h, preferred_element_type=jnp.float32) + b3[...]


def _mlp_t(embt, W1, b1, W2, b2, W3, b3):
  grid = (BATCH // BLK,)
  full = lambda shape: pl.BlockSpec(shape, lambda i: (0, 0))
  return pl.pallas_call(
      _mlp_body,
      grid=grid,
      in_specs=[
          pl.BlockSpec((EMBED, BLK), lambda i: (0, i)),
          full((H1, EMBED)),
          full((H1, 1)),
          full((H2, H1)),
          full((H2, 1)),
          full((H3, H2)),
          full((H3, 1)),
      ],
      out_specs=pl.BlockSpec((H3, BLK), lambda i: (0, i)),
      out_shape=jax.ShapeDtypeStruct((H3, BATCH), jnp.float32),
  )(embt, W1.T, b1.reshape(H1, 1), W2.T, b2.reshape(H2, 1), W3.T,
    b3.reshape(H3, 1))


@jax.jit
def kernel(books, table, W1, b1, W2, b2, W3, b3):
  embt = _sc_gather(table.T, books)
  outt = _mlp_t(embt, W1, b1, W2, b2, W3, b3)
  return outt.T

# --- scband reference (transcript-rebuilt; emitter-appended) ---
"""Pipeline reference for scband-candidate-model-781684048689 (READ-ONLY COPY).

The authoritative reference and input builder live on the scoring server;
editing this copy changes nothing except your own understanding.
"""

import jax, jax.numpy as jnp
import numpy as np

VOCAB = 100001  # len(unique_books) + 1
EMBED_DIM = 64
LAYER_SIZES = [128, 64, 32]
BATCH = 16384

def setup_inputs(seed: int = 0) -> dict:
    key = jax.random.key(seed)
    ks = jax.random.split(key, 8)
    books = jax.random.randint(ks[0], (BATCH,), 0, 100000, dtype=jnp.int64 if jax.config.jax_enable_x64 else jnp.int32).astype(jnp.int32)
    table = jax.random.normal(ks[1], (VOCAB, EMBED_DIM), dtype=jnp.float32) * 0.05
    W1 = jax.random.normal(ks[2], (EMBED_DIM, LAYER_SIZES[0]), dtype=jnp.float32) * (1.0 / np.sqrt(EMBED_DIM))
    b1 = jnp.zeros((LAYER_SIZES[0],), dtype=jnp.float32)
    W2 = jax.random.normal(ks[3], (LAYER_SIZES[0], LAYER_SIZES[1]), dtype=jnp.float32) * (1.0 / np.sqrt(LAYER_SIZES[0]))
    b2 = jnp.zeros((LAYER_SIZES[1],), dtype=jnp.float32)
    W3 = jax.random.normal(ks[4], (LAYER_SIZES[1], LAYER_SIZES[2]), dtype=jnp.float32) * (1.0 / np.sqrt(LAYER_SIZES[1]))
    b3 = jnp.zeros((LAYER_SIZES[2],), dtype=jnp.float32)
    return {"books": books, "table": table, "W1": W1, "b1": b1, "W2": W2, "b2": b2, "W3": W3, "b3": b3}

def reference(books, table, W1, b1, W2, b2, W3, b3):
    # BookModel: StringLookup (modeled as already-integerized ids) -> Embedding
    emb = jnp.take(table, books, axis=0)  # [B, 64]
    # Dense stack: relu for all but last layer
    h = jax.nn.relu(emb @ W1 + b1)
    h = jax.nn.relu(h @ W2 + b2)
    out = h @ W3 + b3
    return out

if __name__ == "__main__":
    import jax
    _d = setup_inputs()
    print(jax.jit(kernel)(*tuple(_d.values())))

</pallas_src>

<mosaic_0001>
#map = affine_map<(d0, d1) -> (0, 0)>
#map1 = affine_map<(d0, d1) -> (0)>
module attributes {stable_mosaic.version = 14 : i64} {
  func.func @gather(%arg0: i32, %arg1: i32, %arg2: memref<64x100001xf32, #tpu.memory_space<hbm>>, %arg3: memref<16384xi32, #tpu.memory_space<hbm>>, %arg4: memref<64x16384xf32, #tpu.memory_space<hbm>>, %arg5: memref<100001xf32, #tpu.memory_space<vmem>>, %arg6: memref<16384xi32, #tpu.memory_space<vmem>>, %arg7: memref<2x4096xf32, #tpu.memory_space<vmem>>, %arg8: memref<!tpu.dma_semaphore, #tpu.memory_space<semaphore_mem>>) attributes {dimension_semantics = [#tpu.dimension_semantics<core_parallel>, #tpu.dimension_semantics<subcore_parallel>], iteration_bounds = array<i64: 2, 16>, scalar_prefetch = 0 : i64, scratch_operands = 4 : i64, tpu.core_type = #tpu.core_type<sc_vector_subcore>, window_params = [{transform_indices = #map}, {transform_indices = #map1}, {transform_indices = #map}]} {
    %mul3A = arith.constant 2 : i32
    %mul3A_0 = arith.muli %arg1, %mul3A : i32
    %add3A = arith.addi %mul3A_0, %arg0 : i32
    "tpu.region"() ({
      %run_scoped3A = tpu.sem_alloc : memref<!tpu.dma_semaphore, #tpu.memory_space<semaphore_mem>>
      tpu.enqueue_dma source(%arg3 : memref<16384xi32, #tpu.memory_space<hbm>>) target(%arg6 : memref<16384xi32, #tpu.memory_space<vmem>>) target_semaphore(%run_scoped3A : memref<!tpu.dma_semaphore, #tpu.memory_space<semaphore_mem>>)
      tpu.wait_dma2 semaphore(%run_scoped3A : memref<!tpu.dma_semaphore, #tpu.memory_space<semaphore_mem>>) src(%arg3 : memref<16384xi32, #tpu.memory_space<hbm>>) dst(%arg6 : memref<16384xi32, #tpu.memory_space<vmem>>)
      tpu.yield
    }) : () -> ()
    %mul3A_1 = arith.constant 2 : i32
    %mul3A_2 = arith.muli %add3A, %mul3A_1 : i32
    %add3A_3 = arith.constant 0 : i32
    %add3A_4 = arith.addi %mul3A_2, %add3A_3 : i32
    "tpu.region"() ({
      %run_scoped3A = tpu.sem_alloc : memref<!tpu.dma_semaphore, #tpu.memory_space<semaphore_mem>>
      %dma_start3A_238 = arith.constant 0 : i32
      %dma_start3A_239 = tpu.memref_slice %arg2[%add3A_4, %dma_start3A_238] : memref<64x100001xf32, #tpu.memory_space<hbm>> -> memref<1x100001xf32, #tpu.memory_space<hbm>>
      %dma_start3A_240 = tpu.memref_squeeze %dma_start3A_239 : memref<1x100001xf32, #tpu.memory_space<hbm>> -> memref<100001xf32, #tpu.memory_space<hbm>>
      %dma_start3A_241 = arith.constant 0 : i32
      %dma_start3A_242 = tpu.memref_slice %arg2[%add3A_4, %dma_start3A_241] : memref<64x100001xf32, #tpu.memory_space<hbm>> -> memref<1x100001xf32, #tpu.memory_space<hbm>>
      %dma_start3A_243 = tpu.memref_squeeze %dma_start3A_242 : memref<1x100001xf32, #tpu.memory_space<hbm>> -> memref<100001xf32, #tpu.memory_space<hbm>>
      tpu.enqueue_dma source(%dma_start3A_243 : memref<100001xf32, #tpu.memory_space<hbm>>) target(%arg5 : memref<100001xf32, #tpu.memory_space<vmem>>) target_semaphore(%run_scoped3A : memref<!tpu.dma_semaphore, #tpu.memory_space<semaphore_mem>>)
      %dma_wait3A_244 = arith.constant 0 : i32
      %dma_wait3A_245 = tpu.memref_slice %arg2[%add3A_4, %dma_wait3A_244] : memref<64x100001xf32, #tpu.memory_space<hbm>> -> memref<1x100001xf32, #tpu.memory_space<hbm>>
      %dma_wait3A_246 = tpu.memref_squeeze %dma_wait3A_245 : memref<1x100001xf32, #tpu.memory_space<hbm>> -> memref<100001xf32, #tpu.memory_space<hbm>>
      %dma_wait3A_247 = arith.constant 0 : i32
      %dma_wait3A_248 = tpu.memref_slice %arg2[%add3A_4, %dma_wait3A_247] : memref<64x100001xf32, #tpu.memory_space<hbm>> -> memref<1x100001xf32, #tpu.memory_space<hbm>>
      %dma_wait3A_249 = tpu.memref_squeeze %dma_wait3A_248 : memref<1x100001xf32, #tpu.memory_space<hbm>> -> memref<100001xf32, #tpu.memory_space<hbm>>
      tpu.wait_dma2 semaphore(%run_scoped3A : memref<!tpu.dma_semaphore, #tpu.memory_space<semaphore_mem>>) src(%dma_wait3A_249 : memref<100001xf32, #tpu.memory_space<hbm>>) dst(%arg5 : memref<100001xf32, #tpu.memory_space<vmem>>)
      tpu.yield
    }) : () -> ()
    %parallel_loop3A = arith.constant 0 : i32
    %parallel_loop3A_5 = arith.constant 4096 : i32
    %parallel_loop3A_6 = arith.constant 16 : i32
    scf.for %parallel_loop3A_238 = %parallel_loop3A to %parallel_loop3A_5 step %parallel_loop3A_6  : i32 {
      %parallel_loop3A_239 = arith.constant 0 : i32
      %parallel_loop3A_240 = arith.addi %parallel_loop3A_239, %parallel_loop3A_238 : i32
      %parallel_loop3A_241 = arith.index_cast %parallel_loop3A_240 : i32 to index
      %parallel_loop3A_242 = tpu.vector_load %arg6[%parallel_loop3A_241] {strides = array<i32>} : memref<16384xi32, #tpu.memory_space<vmem>>, vector<16xi32>,
      %parallel_loop3A_243 = tpu.vector_load_idx %arg5[%parallel_loop3A_242] : memref<100001xf32, #tpu.memory_space<vmem>>[vector<16xi32>], vector<16xf32>,
      %parallel_loop3A_244 = arith.constant 0 : i32
      %parallel_loop3A_245 = arith.index_cast %parallel_loop3A_244 : i32 to index
      %parallel_loop3A_246 = arith.index_cast %parallel_loop3A_238 : i32 to index
      %parallel_loop3A_247 = tpu.vector_load %arg7[%parallel_loop3A_245, %parallel_loop3A_246] {strides = array<i32>} : memref<2x4096xf32, #tpu.memory_space<vmem>>, vector<16xf32>,
      tpu.vector_store %arg7[%parallel_loop3A_245, %parallel_loop3A_246], %parallel_loop3A_243 {strides = array<i32>} : memref<2x4096xf32, #tpu.memory_space<vmem>>, vector<16xf32>,
    } {sc.loop_unroll_factor = 8 : i64, sc.parallel_access}
    %dma_start3A = arith.constant 0 : i32
    %dma_start3A_7 = arith.constant 0 : i32
    %dma_start3A_8 = tpu.memref_slice %arg7[%dma_start3A, %dma_start3A_7] : memref<2x4096xf32, #tpu.memory_space<vmem>> -> memref<1x4096xf32, #tpu.memory_space<vmem>>
    %dma_start3A_9 = tpu.memref_squeeze %dma_start3A_8 : memref<1x4096xf32, #tpu.memory_space<vmem>> -> memref<4096xf32, #tpu.memory_space<vmem>>
    %dma_start3A_10 = arith.constant 0 : i32
    %dma_start3A_11 = tpu.memref_slice %arg4[%add3A_4, %dma_start3A_10] : memref<64x16384xf32, #tpu.memory_space<hbm>> -> memref<1x4096xf32, #tpu.memory_space<hbm>>
    %dma_start3A_12 = tpu.memref_squeeze %dma_start3A_11 : memref<1x4096xf32, #tpu.memory_space<hbm>> -> memref<4096xf32, #tpu.memory_space<hbm>>
    %dma_start3A_13 = arith.constant 0 : i32
    %dma_start3A_14 = tpu.memref_slice %arg4[%add3A_4, %dma_start3A_13] : memref<64x16384xf32, #tpu.memory_space<hbm>> -> memref<1x4096xf32, #tpu.memory_space<hbm>>
    %dma_start3A_15 = tpu.memref_squeeze %dma_start3A_14 : memref<1x4096xf32, #tpu.memory_space<hbm>> -> memref<4096xf32, #tpu.memory_space<hbm>>
    %dma_start3A_16 = arith.constant 0 : i32
    %dma_start3A_17 = tpu.memref_slice %arg7[%dma_start3A, %dma_start3A_16] : memref<2x4096xf32, #tpu.memory_space<vmem>> -> memref<1x4096xf32, #tpu.memory_space<vmem>>
    %dma_start3A_18 = tpu.memref_squeeze %dma_start3A_17 : memref<1x4096xf32, #tpu.memory_space<vmem>> -> memref<4096xf32, #tpu.memory_space<vmem>>
    tpu.enqueue_dma source(%dma_start3A_18 : memref<4096xf32, #tpu.memory_space<vmem>>) target(%dma_start3A_15 : memref<4096xf32, #tpu.memory_space<hbm>>) target_semaphore(%arg8 : memref<!tpu.dma_semaphore, #tpu.memory_space<semaphore_mem>>)
    %parallel_loop3A_19 = arith.constant 0 : i32
    %parallel_loop3A_20 = arith.constant 4096 : i32
    %parallel_loop3A_21 = arith.constant 16 : i32
    scf.for %parallel_loop3A_238 = %parallel_loop3A_19 to %parallel_loop3A_20 step %parallel_loop3A_21  : i32 {
      %parallel_loop3A_239 = arith.constant 4096 : i32
      %parallel_loop3A_240 = arith.addi %parallel_loop3A_239, %parallel_loop3A_238 : i32
      %parallel_loop3A_241 = arith.index_cast %parallel_loop3A_240 : i32 to index
      %parallel_loop3A_242 = tpu.vector_load %arg6[%parallel_loop3A_241] {strides = array<i32>} : memref<16384xi32, #tpu.memory_space<vmem>>, vector<16xi32>,
      %parallel_loop3A_243 = tpu.vector_load_idx %arg5[%parallel_loop3A_242] : memref<100001xf32, #tpu.memory_space<vmem>>[vector<16xi32>], vector<16xf32>,
      %parallel_loop3A_244 = arith.constant 1 : i32
      %parallel_loop3A_245 = arith.index_cast %parallel_loop3A_244 : i32 to index
      %parallel_loop3A_246 = arith.index_cast %parallel_loop3A_238 : i32 to index
      %parallel_loop3A_247 = tpu.vector_load %arg7[%parallel_loop3A_245, %parallel_loop3A_246] {strides = array<i32>} : memref<2x4096xf32, #tpu.memory_space<vmem>>, vector<16xf32>,
      tpu.vector_store %arg7[%parallel_loop3A_245, %parallel_loop3A_246], %parallel_loop3A_243 {strides = array<i32>} : memref<2x4096xf32, #tpu.memory_space<vmem>>, vector<16xf32>,
    } {sc.loop_unroll_factor = 8 : i64, sc.parallel_access}
    %dma_start3A_22 = arith.constant 1 : i32
    %dma_start3A_23 = arith.constant 0 : i32
    %dma_start3A_24 = tpu.memref_slice %arg7[%dma_start3A_22, %dma_start3A_23] : memref<2x4096xf32, #tpu.memory_space<vmem>> -> memref<1x4096xf32, #tpu.memory_space<vmem>>
    %dma_start3A_25 = tpu.memref_squeeze %dma_start3A_24 : memref<1x4096xf32, #tpu.memory_space<vmem>> -> memref<4096xf32, #tpu.memory_space<vmem>>
    %dma_start3A_26 = arith.constant 4096 : i32
    %dma_start3A_27 = tpu.memref_slice %arg4[%add3A_4, %dma_start3A_26] : memref<64x16384xf32, #tpu.memory_space<hbm>> -> memref<1x4096xf32, #tpu.memory_space<hbm>>
    %dma_start3A_28 = tpu.memref_squeeze %dma_start3A_27 : memref<1x4096xf32, #tpu.memory_space<hbm>> -> memref<4096xf32, #tpu.memory_space<hbm>>
    %dma_start3A_29 = arith.constant 4096 : i32
    %dma_start3A_30 = tpu.memref_slice %arg4[%add3A_4, %dma_start3A_29] : memref<64x16384xf32, #tpu.memory_space<hbm>> -> memref<1x4096xf32, #tpu.memory_space<hbm>>
    %dma_start3A_31 = tpu.memref_squeeze %dma_start3A_30 : memref<1x4096xf32, #tpu.memory_space<hbm>> -> memref<4096xf32, #tpu.memory_space<hbm>>
    %dma_start3A_32 = arith.constant 0 : i32
    %dma_start3A_33 = tpu.memref_slice %arg7[%dma_start3A_22, %dma_start3A_32] : memref<2x4096xf32, #tpu.memory_space<vmem>> -> memref<1x4096xf32, #tpu.memory_space<vmem>>
    %dma_start3A_34 = tpu.memref_squeeze %dma_start3A_33 : memref<1x4096xf32, #tpu.memory_space<vmem>> -> memref<4096xf32, #tpu.memory_space<vmem>>
    tpu.enqueue_dma source(%dma_start3A_34 : memref<4096xf32, #tpu.memory_space<vmem>>) target(%dma_start3A_31 : memref<4096xf32, #tpu.memory_space<hbm>>) target_semaphore(%arg8 : memref<!tpu.dma_semaphore, #tpu.memory_space<semaphore_mem>>)
    %dma_wait3A = arith.constant 0 : i32
    %dma_wait3A_35 = arith.constant 0 : i32
    %dma_wait3A_36 = tpu.memref_slice %arg7[%dma_wait3A, %dma_wait3A_35] : memref<2x4096xf32, #tpu.memory_space<vmem>> -> memref<1x4096xf32, #tpu.memory_space<vmem>>
    %dma_wait3A_37 = tpu.memref_squeeze %dma_wait3A_36 : memref<1x4096xf32, #tpu.memory_space<vmem>> -> memref<4096xf32, #tpu.memory_space<vmem>>
    %dma_wait3A_38 = arith.constant 0 : i32
    %dma_wait3A_39 = tpu.memref_slice %arg4[%add3A_4, %dma_wait3A_38] : memref<64x16384xf32, #tpu.memory_space<hbm>> -> memref<1x4096xf32, #tpu.memory_space<hbm>>
    %dma_wait3A_40 = tpu.memref_squeeze %dma_wait3A_39 : memref<1x4096xf32, #tpu.memory_space<hbm>> -> memref<4096xf32, #tpu.memory_space<hbm>>
    %dma_wait3A_41 = arith.constant 0 : i32
    %dma_wait3A_42 = tpu.memref_slice %arg4[%add3A_4, %dma_wait3A_41] : memref<64x16384xf32, #tpu.memory_space<hbm>> -> memref<1x4096xf32, #tpu.memory_space<hbm>>
    %dma_wait3A_43 = tpu.memref_squeeze %dma_wait3A_42 : memref<1x4096xf32, #tpu.memory_space<hbm>> -> memref<4096xf32, #tpu.memory_space<hbm>>
    %dma_wait3A_44 = arith.constant 0 : i32
    %dma_wait3A_45 = tpu.memref_slice %arg7[%dma_wait3A, %dma_wait3A_44] : memref<2x4096xf32, #tpu.memory_space<vmem>> -> memref<1x4096xf32, #tpu.memory_space<vmem>>
    %dma_wait3A_46 = tpu.memref_squeeze %dma_wait3A_45 : memref<1x4096xf32, #tpu.memory_space<vmem>> -> memref<4096xf32, #tpu.memory_space<vmem>>
    tpu.wait_dma2 semaphore(%arg8 : memref<!tpu.dma_semaphore, #tpu.memory_space<semaphore_mem>>) src(%dma_wait3A_46 : memref<4096xf32, #tpu.memory_space<vmem>>) dst(%dma_wait3A_43 : memref<4096xf32, #tpu.memory_space<hbm>>)
    %parallel_loop3A_47 = arith.constant 0 : i32
    %parallel_loop3A_48 = arith.constant 4096 : i32
    %parallel_loop3A_49 = arith.constant 16 : i32
    scf.for %parallel_loop3A_238 = %parallel_loop3A_47 to %parallel_loop3A_48 step %parallel_loop3A_49  : i32 {
      %parallel_loop3A_239 = arith.constant 8192 : i32
      %parallel_loop3A_240 = arith.addi %parallel_loop3A_239, %parallel_loop3A_238 : i32
      %parallel_loop3A_241 = arith.index_cast %parallel_loop3A_240 : i32 to index
      %parallel_loop3A_242 = tpu.vector_load %arg6[%parallel_loop3A_241] {strides = array<i32>} : memref<16384xi32, #tpu.memory_space<vmem>>, vector<16xi32>,
      %parallel_loop3A_243 = tpu.vector_load_idx %arg5[%parallel_loop3A_242] : memref<100001xf32, #tpu.memory_space<vmem>>[vector<16xi32>], vector<16xf32>,
      %parallel_loop3A_244 = arith.constant 0 : i32
      %parallel_loop3A_245 = arith.index_cast %parallel_loop3A_244 : i32 to index
      %parallel_loop3A_246 = arith.index_cast %parallel_loop3A_238 : i32 to index
      %parallel_loop3A_247 = tpu.vector_load %arg7[%parallel_loop3A_245, %parallel_loop3A_246] {strides = array<i32>} : memref<2x4096xf32, #tpu.memory_space<vmem>>, vector<16xf32>,
      tpu.vector_store %arg7[%parallel_loop3A_245, %parallel_loop3A_246], %parallel_loop3A_243 {strides = array<i32>} : memref<2x4096xf32, #tpu.memory_space<vmem>>, vector<16xf32>,
    } {sc.loop_unroll_factor = 8 : i64, sc.parallel_access}
    %dma_start3A_50 = arith.constant 0 : i32
    %dma_start3A_51 = arith.constant 0 : i32
    %dma_start3A_52 = tpu.memref_slice %arg7[%dma_start3A_50, %dma_start3A_51] : memref<2x4096xf32, #tpu.memory_space<vmem>> -> memref<1x4096xf32, #tpu.memory_space<vmem>>
    %dma_start3A_53 = tpu.memref_squeeze %dma_start3A_52 : memref<1x4096xf32, #tpu.memory_space<vmem>> -> memref<4096xf32, #tpu.memory_space<vmem>>
    %dma_start3A_54 = arith.constant 8192 : i32
    %dma_start3A_55 = tpu.memref_slice %arg4[%add3A_4, %dma_start3A_54] : memref<64x16384xf32, #tpu.memory_space<hbm>> -> memref<1x4096xf32, #tpu.memory_space<hbm>>
    %dma_start3A_56 = tpu.memref_squeeze %dma_start3A_55 : memref<1x4096xf32, #tpu.memory_space<hbm>> -> memref<4096xf32, #tpu.memory_space<hbm>>
    %dma_start3A_57 = arith.constant 8192 : i32
    %dma_start3A_58 = tpu.memref_slice %arg4[%add3A_4, %dma_start3A_57] : memref<64x16384xf32, #tpu.memory_space<hbm>> -> memref<1x4096xf32, #tpu.memory_space<hbm>>
    %dma_start3A_59 = tpu.memref_squeeze %dma_start3A_58 : memref<1x4096xf32, #tpu.memory_space<hbm>> -> memref<4096xf32, #tpu.memory_space<hbm>>
    %dma_start3A_60 = arith.constant 0 : i32
    %dma_start3A_61 = tpu.memref_slice %arg7[%dma_start3A_50, %dma_start3A_60] : memref<2x4096xf32, #tpu.memory_space<vmem>> -> memref<1x4096xf32, #tpu.memory_space<vmem>>
    %dma_start3A_62 = tpu.memref_squeeze %dma_start3A_61 : memref<1x4096xf32, #tpu.memory_space<vmem>> -> memref<4096xf32, #tpu.memory_space<vmem>>
    tpu.enqueue_dma source(%dma_start3A_62 : memref<4096xf32, #tpu.memory_space<vmem>>) target(%dma_start3A_59 : memref<4096xf32, #tpu.memory_space<hbm>>) target_semaphore(%arg8 : memref<!tpu.dma_semaphore, #tpu.memory_space<semaphore_mem>>)
    %dma_wait3A_63 = arith.constant 1 : i32
    %dma_wait3A_64 = arith.constant 0 : i32
    %dma_wait3A_65 = tpu.memref_slice %arg7[%dma_wait3A_63, %dma_wait3A_64] : memref<2x4096xf32, #tpu.memory_space<vmem>> -> memref<1x4096xf32, #tpu.memory_space<vmem>>
    %dma_wait3A_66 = tpu.memref_squeeze %dma_wait3A_65 : memref<1x4096xf32, #tpu.memory_space<vmem>> -> memref<4096xf32, #tpu.memory_space<vmem>>
    %dma_wait3A_67 = arith.constant 4096 : i32
    %dma_wait3A_68 = tpu.memref_slice %arg4[%add3A_4, %dma_wait3A_67] : memref<64x16384xf32, #tpu.memory_space<hbm>> -> memref<1x4096xf32, #tpu.memory_space<hbm>>
    %dma_wait3A_69 = tpu.memref_squeeze %dma_wait3A_68 : memref<1x4096xf32, #tpu.memory_space<hbm>> -> memref<4096xf32, #tpu.memory_space<hbm>>
    %dma_wait3A_70 = arith.constant 4096 : i32
    %dma_wait3A_71 = tpu.memref_slice %arg4[%add3A_4, %dma_wait3A_70] : memref<64x16384xf32, #tpu.memory_space<hbm>> -> memref<1x4096xf32, #tpu.memory_space<hbm>>
    %dma_wait3A_72 = tpu.memref_squeeze %dma_wait3A_71 : memref<1x4096xf32, #tpu.memory_space<hbm>> -> memref<4096xf32, #tpu.memory_space<hbm>>
    %dma_wait3A_73 = arith.constant 0 : i32
    %dma_wait3A_74 = tpu.memref_slice %arg7[%dma_wait3A_63, %dma_wait3A_73] : memref<2x4096xf32, #tpu.memory_space<vmem>> -> memref<1x4096xf32, #tpu.memory_space<vmem>>
    %dma_wait3A_75 = tpu.memref_squeeze %dma_wait3A_74 : memref<1x4096xf32, #tpu.memory_space<vmem>> -> memref<4096xf32, #tpu.memory_space<vmem>>
    tpu.wait_dma2 semaphore(%arg8 : memref<!tpu.dma_semaphore, #tpu.memory_space<semaphore_mem>>) src(%dma_wait3A_75 : memref<4096xf32, #tpu.memory_space<vmem>>) dst(%dma_wait3A_72 : memref<4096xf32, #tpu.memory_space<hbm>>)
    %parallel_loop3A_76 = arith.constant 0 : i32
    %parallel_loop3A_77 = arith.constant 4096 : i32
    %parallel_loop3A_78 = arith.constant 16 : i32
    scf.for %parallel_loop3A_238 = %parallel_loop3A_76 to %parallel_loop3A_77 step %parallel_loop3A_78  : i32 {
      %parallel_loop3A_239 = arith.constant 12288 : i32
      %parallel_loop3A_240 = arith.addi %parallel_loop3A_239, %parallel_loop3A_238 : i32
      %parallel_loop3A_241 = arith.index_cast %parallel_loop3A_240 : i32 to index
      %parallel_loop3A_242 = tpu.vector_load %arg6[%parallel_loop3A_241] {strides = array<i32>} : memref<16384xi32, #tpu.memory_space<vmem>>, vector<16xi32>,
      %parallel_loop3A_243 = tpu.vector_load_idx %arg5[%parallel_loop3A_242] : memref<100001xf32, #tpu.memory_space<vmem>>[vector<16xi32>], vector<16xf32>,
      %parallel_loop3A_244 = arith.constant 1 : i32
      %parallel_loop3A_245 = arith.index_cast %parallel_loop3A_244 : i32 to index
      %parallel_loop3A_246 = arith.index_cast %parallel_loop3A_238 : i32 to index
      %parallel_loop3A_247 = tpu.vector_load %arg7[%parallel_loop3A_245, %parallel_loop3A_246] {strides = array<i32>} : memref<2x4096xf32, #tpu.memory_space<vmem>>, vector<16xf32>,
      tpu.vector_store %arg7[%parallel_loop3A_245, %parallel_loop3A_246], %parallel_loop3A_243 {strides = array<i32>} : memref<2x4096xf32, #tpu.memory_space<vmem>>, vector<16xf32>,
    } {sc.loop_unroll_factor = 8 : i64, sc.parallel_access}
    %dma_start3A_79 = arith.constant 1 : i32
    %dma_start3A_80 = arith.constant 0 : i32
    %dma_start3A_81 = tpu.memref_slice %arg7[%dma_start3A_79, %dma_start3A_80] : memref<2x4096xf32, #tpu.memory_space<vmem>> -> memref<1x4096xf32, #tpu.memory_space<vmem>>
    %dma_start3A_82 = tpu.memref_squeeze %dma_start3A_81 : memref<1x4096xf32, #tpu.memory_space<vmem>> -> memref<4096xf32, #tpu.memory_space<vmem>>
    %dma_start3A_83 = arith.constant 12288 : i32
    %dma_start3A_84 = tpu.memref_slice %arg4[%add3A_4, %dma_start3A_83] : memref<64x16384xf32, #tpu.memory_space<hbm>> -> memref<1x4096xf32, #tpu.memory_space<hbm>>
    %dma_start3A_85 = tpu.memref_squeeze %dma_start3A_84 : memref<1x4096xf32, #tpu.memory_space<hbm>> -> memref<4096xf32, #tpu.memory_space<hbm>>
    %dma_start3A_86 = arith.constant 12288 : i32
    %dma_start3A_87 = tpu.memref_slice %arg4[%add3A_4, %dma_start3A_86] : memref<64x16384xf32, #tpu.memory_space<hbm>> -> memref<1x4096xf32, #tpu.memory_space<hbm>>
    %dma_start3A_88 = tpu.memref_squeeze %dma_start3A_87 : memref<1x4096xf32, #tpu.memory_space<hbm>> -> memref<4096xf32, #tpu.memory_space<hbm>>
    %dma_start3A_89 = arith.constant 0 : i32
    %dma_start3A_90 = tpu.memref_slice %arg7[%dma_start3A_79, %dma_start3A_89] : memref<2x4096xf32, #tpu.memory_space<vmem>> -> memref<1x4096xf32, #tpu.memory_space<vmem>>
    %dma_start3A_91 = tpu.memref_squeeze %dma_start3A_90 : memref<1x4096xf32, #tpu.memory_space<vmem>> -> memref<4096xf32, #tpu.memory_space<vmem>>
    tpu.enqueue_dma source(%dma_start3A_91 : memref<4096xf32, #tpu.memory_space<vmem>>) target(%dma_start3A_88 : memref<4096xf32, #tpu.memory_space<hbm>>) target_semaphore(%arg8 : memref<!tpu.dma_semaphore, #tpu.memory_space<semaphore_mem>>)
    %mul3A_92 = arith.constant 2 : i32
    %mul3A_93 = arith.muli %add3A, %mul3A_92 : i32
    %add3A_94 = arith.constant 1 : i32
    %add3A_95 = arith.addi %mul3A_93, %add3A_94 : i32
    "tpu.region"() ({
      %run_scoped3A = tpu.sem_alloc : memref<!tpu.dma_semaphore, #tpu.memory_space<semaphore_mem>>
      %dma_start3A_238 = arith.constant 0 : i32
      %dma_start3A_239 = tpu.memref_slice %arg2[%add3A_95, %dma_start3A_238] : memref<64x100001xf32, #tpu.memory_space<hbm>> -> memref<1x100001xf32, #tpu.memory_space<hbm>>
      %dma_start3A_240 = tpu.memref_squeeze %dma_start3A_239 : memref<1x100001xf32, #tpu.memory_space<hbm>> -> memref<100001xf32, #tpu.memory_space<hbm>>
      %dma_start3A_241 = arith.constant 0 : i32
      %dma_start3A_242 = tpu.memref_slice %arg2[%add3A_95, %dma_start3A_241] : memref<64x100001xf32, #tpu.memory_space<hbm>> -> memref<1x100001xf32, #tpu.memory_space<hbm>>
      %dma_start3A_243 = tpu.memref_squeeze %dma_start3A_242 : memref<1x100001xf32, #tpu.memory_space<hbm>> -> memref<100001xf32, #tpu.memory_space<hbm>>
      tpu.enqueue_dma source(%dma_start3A_243 : memref<100001xf32, #tpu.memory_space<hbm>>) target(%arg5 : memref<100001xf32, #tpu.memory_space<vmem>>) target_semaphore(%run_scoped3A : memref<!tpu.dma_semaphore, #tpu.memory_space<semaphore_mem>>)
      %dma_wait3A_244 = arith.constant 0 : i32
      %dma_wait3A_245 = tpu.memref_slice %arg2[%add3A_95, %dma_wait3A_244] : memref<64x100001xf32, #tpu.memory_space<hbm>> -> memref<1x100001xf32, #tpu.memory_space<hbm>>
      %dma_wait3A_246 = tpu.memref_squeeze %dma_wait3A_245 : memref<1x100001xf32, #tpu.memory_space<hbm>> -> memref<100001xf32, #tpu.memory_space<hbm>>
      %dma_wait3A_247 = arith.constant 0 : i32
      %dma_wait3A_248 = tpu.memref_slice %arg2[%add3A_95, %dma_wait3A_247] : memref<64x100001xf32, #tpu.memory_space<hbm>> -> memref<1x100001xf32, #tpu.memory_space<hbm>>
      %dma_wait3A_249 = tpu.memref_squeeze %dma_wait3A_248 : memref<1x100001xf32, #tpu.memory_space<hbm>> -> memref<100001xf32, #tpu.memory_space<hbm>>
      tpu.wait_dma2 semaphore(%run_scoped3A : memref<!tpu.dma_semaphore, #tpu.memory_space<semaphore_mem>>) src(%dma_wait3A_249 : memref<100001xf32, #tpu.memory_space<hbm>>) dst(%arg5 : memref<100001xf32, #tpu.memory_space<vmem>>)
      tpu.yield
    }) : () -> ()
    %dma_wait3A_96 = arith.constant 0 : i32
    %dma_wait3A_97 = arith.constant 0 : i32
    %dma_wait3A_98 = tpu.memref_slice %arg7[%dma_wait3A_96, %dma_wait3A_97] : memref<2x4096xf32, #tpu.memory_space<vmem>> -> memref<1x4096xf32, #tpu.memory_space<vmem>>
    %dma_wait3A_99 = tpu.memref_squeeze %dma_wait3A_98 : memref<1x4096xf32, #tpu.memory_space<vmem>> -> memref<4096xf32, #tpu.memory_space<vmem>>
    %dma_wait3A_100 = arith.constant 8192 : i32
    %dma_wait3A_101 = tpu.memref_slice %arg4[%add3A_4, %dma_wait3A_100] : memref<64x16384xf32, #tpu.memory_space<hbm>> -> memref<1x4096xf32, #tpu.memory_space<hbm>>
    %dma_wait3A_102 = tpu.memref_squeeze %dma_wait3A_101 : memref<1x4096xf32, #tpu.memory_space<hbm>> -> memref<4096xf32, #tpu.memory_space<hbm>>
    %dma_wait3A_103 = arith.constant 8192 : i32
    %dma_wait3A_104 = tpu.memref_slice %arg4[%add3A_4, %dma_wait3A_103] : memref<64x16384xf32, #tpu.memory_space<hbm>> -> memref<1x4096xf32, #tpu.memory_space<hbm>>
    %dma_wait3A_105 = tpu.memref_squeeze %dma_wait3A_104 : memref<1x4096xf32, #tpu.memory_space<hbm>> -> memref<4096xf32, #tpu.memory_space<hbm>>
    %dma_wait3A_106 = arith.constant 0 : i32
    %dma_wait3A_107 = tpu.memref_slice %arg7[%dma_wait3A_96, %dma_wait3A_106] : memref<2x4096xf32, #tpu.memory_space<vmem>> -> memref<1x4096xf32, #tpu.memory_space<vmem>>
    %dma_wait3A_108 = tpu.memref_squeeze %dma_wait3A_107 : memref<1x4096xf32, #tpu.memory_space<vmem>> -> memref<4096xf32, #tpu.memory_space<vmem>>
    tpu.wait_dma2 semaphore(%arg8 : memref<!tpu.dma_semaphore, #tpu.memory_space<semaphore_mem>>) src(%dma_wait3A_108 : memref<4096xf32, #tpu.memory_space<vmem>>) dst(%dma_wait3A_105 : memref<4096xf32, #tpu.memory_space<hbm>>)
    %parallel_loop3A_109 = arith.constant 0 : i32
    %parallel_loop3A_110 = arith.constant 4096 : i32
    %parallel_loop3A_111 = arith.constant 16 : i32
    scf.for %parallel_loop3A_238 = %parallel_loop3A_109 to %parallel_loop3A_110 step %parallel_loop3A_111  : i32 {
      %parallel_loop3A_239 = arith.constant 0 : i32
      %parallel_loop3A_240 = arith.addi %parallel_loop3A_239, %parallel_loop3A_238 : i32
      %parallel_loop3A_241 = arith.index_cast %parallel_loop3A_240 : i32 to index
      %parallel_loop3A_242 = tpu.vector_load %arg6[%parallel_loop3A_241] {strides = array<i32>} : memref<16384xi32, #tpu.memory_space<vmem>>, vector<16xi32>,
      %parallel_loop3A_243 = tpu.vector_load_idx %arg5[%parallel_loop3A_242] : memref<100001xf32, #tpu.memory_space<vmem>>[vector<16xi32>], vector<16xf32>,
      %parallel_loop3A_244 = arith.constant 0 : i32
      %parallel_loop3A_245 = arith.index_cast %parallel_loop3A_244 : i32 to index
      %parallel_loop3A_246 = arith.index_cast %parallel_loop3A_238 : i32 to index
      %parallel_loop3A_247 = tpu.vector_load %arg7[%parallel_loop3A_245, %parallel_loop3A_246] {strides = array<i32>} : memref<2x4096xf32, #tpu.memory_space<vmem>>, vector<16xf32>,
      tpu.vector_store %arg7[%parallel_loop3A_245, %parallel_loop3A_246], %parallel_loop3A_243 {strides = array<i32>} : memref<2x4096xf32, #tpu.memory_space<vmem>>, vector<16xf32>,
    } {sc.loop_unroll_factor = 8 : i64, sc.parallel_access}
    %dma_start3A_112 = arith.constant 0 : i32
    %dma_start3A_113 = arith.constant 0 : i32
    %dma_start3A_114 = tpu.memref_slice %arg7[%dma_start3A_112, %dma_start3A_113] : memref<2x4096xf32, #tpu.memory_space<vmem>> -> memref<1x4096xf32, #tpu.memory_space<vmem>>
    %dma_start3A_115 = tpu.memref_squeeze %dma_start3A_114 : memref<1x4096xf32, #tpu.memory_space<vmem>> -> memref<4096xf32, #tpu.memory_space<vmem>>
    %dma_start3A_116 = arith.constant 0 : i32
    %dma_start3A_117 = tpu.memref_slice %arg4[%add3A_95, %dma_start3A_116] : memref<64x16384xf32, #tpu.memory_space<hbm>> -> memref<1x4096xf32, #tpu.memory_space<hbm>>
    %dma_start3A_118 = tpu.memref_squeeze %dma_start3A_117 : memref<1x4096xf32, #tpu.memory_space<hbm>> -> memref<4096xf32, #tpu.memory_space<hbm>>
    %dma_start3A_119 = arith.constant 0 : i32
    %dma_start3A_120 = tpu.memref_slice %arg4[%add3A_95, %dma_start3A_119] : memref<64x16384xf32, #tpu.memory_space<hbm>> -> memref<1x4096xf32, #tpu.memory_space<hbm>>
    %dma_start3A_121 = tpu.memref_squeeze %dma_start3A_120 : memref<1x4096xf32, #tpu.memory_space<hbm>> -> memref<4096xf32, #tpu.memory_space<hbm>>
    %dma_start3A_122 = arith.constant 0 : i32
    %dma_start3A_123 = tpu.memref_slice %arg7[%dma_start3A_112, %dma_start3A_122] : memref<2x4096xf32, #tpu.memory_space<vmem>> -> memref<1x4096xf32, #tpu.memory_space<vmem>>
    %dma_start3A_124 = tpu.memref_squeeze %dma_start3A_123 : memref<1x4096xf32, #tpu.memory_space<vmem>> -> memref<4096xf32, #tpu.memory_space<vmem>>
    tpu.enqueue_dma source(%dma_start3A_124 : memref<4096xf32, #tpu.memory_space<vmem>>) target(%dma_start3A_121 : memref<4096xf32, #tpu.memory_space<hbm>>) target_semaphore(%arg8 : memref<!tpu.dma_semaphore, #tpu.memory_space<semaphore_mem>>)
    %dma_wait3A_125 = arith.constant 1 : i32
    %dma_wait3A_126 = arith.constant 0 : i32
    %dma_wait3A_127 = tpu.memref_slice %arg7[%dma_wait3A_125, %dma_wait3A_126] : memref<2x4096xf32, #tpu.memory_space<vmem>> -> memref<1x4096xf32, #tpu.memory_space<vmem>>
    %dma_wait3A_128 = tpu.memref_squeeze %dma_wait3A_127 : memref<1x4096xf32, #tpu.memory_space<vmem>> -> memref<4096xf32, #tpu.memory_space<vmem>>
    %dma_wait3A_129 = arith.constant 12288 : i32
    %dma_wait3A_130 = tpu.memref_slice %arg4[%add3A_4, %dma_wait3A_129] : memref<64x16384xf32, #tpu.memory_space<hbm>> -> memref<1x4096xf32, #tpu.memory_space<hbm>>
    %dma_wait3A_131 = tpu.memref_squeeze %dma_wait3A_130 : memref<1x4096xf32, #tpu.memory_space<hbm>> -> memref<4096xf32, #tpu.memory_space<hbm>>
    %dma_wait3A_132 = arith.constant 12288 : i32
    %dma_wait3A_133 = tpu.memref_slice %arg4[%add3A_4, %dma_wait3A_132] : memref<64x16384xf32, #tpu.memory_space<hbm>> -> memref<1x4096xf32, #tpu.memory_space<hbm>>
    %dma_wait3A_134 = tpu.memref_squeeze %dma_wait3A_133 : memref<1x4096xf32, #tpu.memory_space<hbm>> -> memref<4096xf32, #tpu.memory_space<hbm>>
    %dma_wait3A_135 = arith.constant 0 : i32
    %dma_wait3A_136 = tpu.memref_slice %arg7[%dma_wait3A_125, %dma_wait3A_135] : memref<2x4096xf32, #tpu.memory_space<vmem>> -> memref<1x4096xf32, #tpu.memory_space<vmem>>
    %dma_wait3A_137 = tpu.memref_squeeze %dma_wait3A_136 : memref<1x4096xf32, #tpu.memory_space<vmem>> -> memref<4096xf32, #tpu.memory_space<vmem>>
    tpu.wait_dma2 semaphore(%arg8 : memref<!tpu.dma_semaphore, #tpu.memory_space<semaphore_mem>>) src(%dma_wait3A_137 : memref<4096xf32, #tpu.memory_space<vmem>>) dst(%dma_wait3A_134 : memref<4096xf32, #tpu.memory_space<hbm>>)
    %parallel_loop3A_138 = arith.constant 0 : i32
    %parallel_loop3A_139 = arith.constant 4096 : i32
    %parallel_loop3A_140 = arith.constant 16 : i32
    scf.for %parallel_loop3A_238 = %parallel_loop3A_138 to %parallel_loop3A_139 step %parallel_loop3A_140  : i32 {
      %parallel_loop3A_239 = arith.constant 4096 : i32
      %parallel_loop3A_240 = arith.addi %parallel_loop3A_239, %parallel_loop3A_238 : i32
      %parallel_loop3A_241 = arith.index_cast %parallel_loop3A_240 : i32 to index
      %parallel_loop3A_242 = tpu.vector_load %arg6[%parallel_loop3A_241] {strides = array<i32>} : memref<16384xi32, #tpu.memory_space<vmem>>, vector<16xi32>,
      %parallel_loop3A_243 = tpu.vector_load_idx %arg5[%parallel_loop3A_242] : memref<100001xf32, #tpu.memory_space<vmem>>[vector<16xi32>], vector<16xf32>,
      %parallel_loop3A_244 = arith.constant 1 : i32
      %parallel_loop3A_245 = arith.index_cast %parallel_loop3A_244 : i32 to index
      %parallel_loop3A_246 = arith.index_cast %parallel_loop3A_238 : i32 to index
      %parallel_loop3A_247 = tpu.vector_load %arg7[%parallel_loop3A_245, %parallel_loop3A_246] {strides = array<i32>} : memref<2x4096xf32, #tpu.memory_space<vmem>>, vector<16xf32>,
      tpu.vector_store %arg7[%parallel_loop3A_245, %parallel_loop3A_246], %parallel_loop3A_243 {strides = array<i32>} : memref<2x4096xf32, #tpu.memory_space<vmem>>, vector<16xf32>,
    } {sc.loop_unroll_factor = 8 : i64, sc.parallel_access}
    %dma_start3A_141 = arith.constant 1 : i32
    %dma_start3A_142 = arith.constant 0 : i32
    %dma_start3A_143 = tpu.memref_slice %arg7[%dma_start3A_141, %dma_start3A_142] : memref<2x4096xf32, #tpu.memory_space<vmem>> -> memref<1x4096xf32, #tpu.memory_space<vmem>>
    %dma_start3A_144 = tpu.memref_squeeze %dma_start3A_143 : memref<1x4096xf32, #tpu.memory_space<vmem>> -> memref<4096xf32, #tpu.memory_space<vmem>>
    %dma_start3A_145 = arith.constant 4096 : i32
    %dma_start3A_146 = tpu.memref_slice %arg4[%add3A_95, %dma_start3A_145] : memref<64x16384xf32, #tpu.memory_space<hbm>> -> memref<1x4096xf32, #tpu.memory_space<hbm>>
    %dma_start3A_147 = tpu.memref_squeeze %dma_start3A_146 : memref<1x4096xf32, #tpu.memory_space<hbm>> -> memref<4096xf32, #tpu.memory_space<hbm>>
    %dma_start3A_148 = arith.constant 4096 : i32
    %dma_start3A_149 = tpu.memref_slice %arg4[%add3A_95, %dma_start3A_148] : memref<64x16384xf32, #tpu.memory_space<hbm>> -> memref<1x4096xf32, #tpu.memory_space<hbm>>
    %dma_start3A_150 = tpu.memref_squeeze %dma_start3A_149 : memref<1x4096xf32, #tpu.memory_space<hbm>> -> memref<4096xf32, #tpu.memory_space<hbm>>
    %dma_start3A_151 = arith.constant 0 : i32
    %dma_start3A_152 = tpu.memref_slice %arg7[%dma_start3A_141, %dma_start3A_151] : memref<2x4096xf32, #tpu.memory_space<vmem>> -> memref<1x4096xf32, #tpu.memory_space<vmem>>
    %dma_start3A_153 = tpu.memref_squeeze %dma_start3A_152 : memref<1x4096xf32, #tpu.memory_space<vmem>> -> memref<4096xf32, #tpu.memory_space<vmem>>
    tpu.enqueue_dma source(%dma_start3A_153 : memref<4096xf32, #tpu.memory_space<vmem>>) target(%dma_start3A_150 : memref<4096xf32, #tpu.memory_space<hbm>>) target_semaphore(%arg8 : memref<!tpu.dma_semaphore, #tpu.memory_space<semaphore_mem>>)
    %dma_wait3A_154 = arith.constant 0 : i32
    %dma_wait3A_155 = arith.constant 0 : i32
    %dma_wait3A_156 = tpu.memref_slice %arg7[%dma_wait3A_154, %dma_wait3A_155] : memref<2x4096xf32, #tpu.memory_space<vmem>> -> memref<1x4096xf32, #tpu.memory_space<vmem>>
    %dma_wait3A_157 = tpu.memref_squeeze %dma_wait3A_156 : memref<1x4096xf32, #tpu.memory_space<vmem>> -> memref<4096xf32, #tpu.memory_space<vmem>>
    %dma_wait3A_158 = arith.constant 0 : i32
    %dma_wait3A_159 = tpu.memref_slice %arg4[%add3A_95, %dma_wait3A_158] : memref<64x16384xf32, #tpu.memory_space<hbm>> -> memref<1x4096xf32, #tpu.memory_space<hbm>>
    %dma_wait3A_160 = tpu.memref_squeeze %dma_wait3A_159 : memref<1x4096xf32, #tpu.memory_space<hbm>> -> memref<4096xf32, #tpu.memory_space<hbm>>
    %dma_wait3A_161 = arith.constant 0 : i32
    %dma_wait3A_162 = tpu.memref_slice %arg4[%add3A_95, %dma_wait3A_161] : memref<64x16384xf32, #tpu.memory_space<hbm>> -> memref<1x4096xf32, #tpu.memory_space<hbm>>
    %dma_wait3A_163 = tpu.memref_squeeze %dma_wait3A_162 : memref<1x4096xf32, #tpu.memory_space<hbm>> -> memref<4096xf32, #tpu.memory_space<hbm>>
    %dma_wait3A_164 = arith.constant 0 : i32
    %dma_wait3A_165 = tpu.memref_slice %arg7[%dma_wait3A_154, %dma_wait3A_164] : memref<2x4096xf32, #tpu.memory_space<vmem>> -> memref<1x4096xf32, #tpu.memory_space<vmem>>
    %dma_wait3A_166 = tpu.memref_squeeze %dma_wait3A_165 : memref<1x4096xf32, #tpu.memory_space<vmem>> -> memref<4096xf32, #tpu.memory_space<vmem>>
    tpu.wait_dma2 semaphore(%arg8 : memref<!tpu.dma_semaphore, #tpu.memory_space<semaphore_mem>>) src(%dma_wait3A_166 : memref<4096xf32, #tpu.memory_space<vmem>>) dst(%dma_wait3A_163 : memref<4096xf32, #tpu.memory_space<hbm>>)
    %parallel_loop3A_167 = arith.constant 0 : i32
    %parallel_loop3A_168 = arith.constant 4096 : i32
    %parallel_loop3A_169 = arith.constant 16 : i32
    scf.for %parallel_loop3A_238 = %parallel_loop3A_167 to %parallel_loop3A_168 step %parallel_loop3A_169  : i32 {
      %parallel_loop3A_239 = arith.constant 8192 : i32
      %parallel_loop3A_240 = arith.addi %parallel_loop3A_239, %parallel_loop3A_238 : i32
      %parallel_loop3A_241 = arith.index_cast %parallel_loop3A_240 : i32 to index
      %parallel_loop3A_242 = tpu.vector_load %arg6[%parallel_loop3A_241] {strides = array<i32>} : memref<16384xi32, #tpu.memory_space<vmem>>, vector<16xi32>,
      %parallel_loop3A_243 = tpu.vector_load_idx %arg5[%parallel_loop3A_242] : memref<100001xf32, #tpu.memory_space<vmem>>[vector<16xi32>], vector<16xf32>,
      %parallel_loop3A_244 = arith.constant 0 : i32
      %parallel_loop3A_245 = arith.index_cast %parallel_loop3A_244 : i32 to index
      %parallel_loop3A_246 = arith.index_cast %parallel_loop3A_238 : i32 to index
      %parallel_loop3A_247 = tpu.vector_load %arg7[%parallel_loop3A_245, %parallel_loop3A_246] {strides = array<i32>} : memref<2x4096xf32, #tpu.memory_space<vmem>>, vector<16xf32>,
      tpu.vector_store %arg7[%parallel_loop3A_245, %parallel_loop3A_246], %parallel_loop3A_243 {strides = array<i32>} : memref<2x4096xf32, #tpu.memory_space<vmem>>, vector<16xf32>,
    } {sc.loop_unroll_factor = 8 : i64, sc.parallel_access}
    %dma_start3A_170 = arith.constant 0 : i32
    %dma_start3A_171 = arith.constant 0 : i32
    %dma_start3A_172 = tpu.memref_slice %arg7[%dma_start3A_170, %dma_start3A_171] : memref<2x4096xf32, #tpu.memory_space<vmem>> -> memref<1x4096xf32, #tpu.memory_space<vmem>>
    %dma_start3A_173 = tpu.memref_squeeze %dma_start3A_172 : memref<1x4096xf32, #tpu.memory_space<vmem>> -> memref<4096xf32, #tpu.memory_space<vmem>>
    %dma_start3A_174 = arith.constant 8192 : i32
    %dma_start3A_175 = tpu.memref_slice %arg4[%add3A_95, %dma_start3A_174] : memref<64x16384xf32, #tpu.memory_space<hbm>> -> memref<1x4096xf32, #tpu.memory_space<hbm>>
    %dma_start3A_176 = tpu.memref_squeeze %dma_start3A_175 : memref<1x4096xf32, #tpu.memory_space<hbm>> -> memref<4096xf32, #tpu.memory_space<hbm>>
    %dma_start3A_177 = arith.constant 8192 : i32
    %dma_start3A_178 = tpu.memref_slice %arg4[%add3A_95, %dma_start3A_177] : memref<64x16384xf32, #tpu.memory_space<hbm>> -> memref<1x4096xf32, #tpu.memory_space<hbm>>
    %dma_start3A_179 = tpu.memref_squeeze %dma_start3A_178 : memref<1x4096xf32, #tpu.memory_space<hbm>> -> memref<4096xf32, #tpu.memory_space<hbm>>
    %dma_start3A_180 = arith.constant 0 : i32
    %dma_start3A_181 = tpu.memref_slice %arg7[%dma_start3A_170, %dma_start3A_180] : memref<2x4096xf32, #tpu.memory_space<vmem>> -> memref<1x4096xf32, #tpu.memory_space<vmem>>
    %dma_start3A_182 = tpu.memref_squeeze %dma_start3A_181 : memref<1x4096xf32, #tpu.memory_space<vmem>> -> memref<4096xf32, #tpu.memory_space<vmem>>
    tpu.enqueue_dma source(%dma_start3A_182 : memref<4096xf32, #tpu.memory_space<vmem>>) target(%dma_start3A_179 : memref<4096xf32, #tpu.memory_space<hbm>>) target_semaphore(%arg8 : memref<!tpu.dma_semaphore, #tpu.memory_space<semaphore_mem>>)
    %dma_wait3A_183 = arith.constant 1 : i32
    %dma_wait3A_184 = arith.constant 0 : i32
    %dma_wait3A_185 = tpu.memref_slice %arg7[%dma_wait3A_183, %dma_wait3A_184] : memref<2x4096xf32, #tpu.memory_space<vmem>> -> memref<1x4096xf32, #tpu.memory_space<vmem>>
    %dma_wait3A_186 = tpu.memref_squeeze %dma_wait3A_185 : memref<1x4096xf32, #tpu.memory_space<vmem>> -> memref<4096xf32, #tpu.memory_space<vmem>>
    %dma_wait3A_187 = arith.constant 4096 : i32
    %dma_wait3A_188 = tpu.memref_slice %arg4[%add3A_95, %dma_wait3A_187] : memref<64x16384xf32, #tpu.memory_space<hbm>> -> memref<1x4096xf32, #tpu.memory_space<hbm>>
    %dma_wait3A_189 = tpu.memref_squeeze %dma_wait3A_188 : memref<1x4096xf32, #tpu.memory_space<hbm>> -> memref<4096xf32, #tpu.memory_space<hbm>>
    %dma_wait3A_190 = arith.constant 4096 : i32
    %dma_wait3A_191 = tpu.memref_slice %arg4[%add3A_95, %dma_wait3A_190] : memref<64x16384xf32, #tpu.memory_space<hbm>> -> memref<1x4096xf32, #tpu.memory_space<hbm>>
    %dma_wait3A_192 = tpu.memref_squeeze %dma_wait3A_191 : memref<1x4096xf32, #tpu.memory_space<hbm>> -> memref<4096xf32, #tpu.memory_space<hbm>>
    %dma_wait3A_193 = arith.constant 0 : i32
    %dma_wait3A_194 = tpu.memref_slice %arg7[%dma_wait3A_183, %dma_wait3A_193] : memref<2x4096xf32, #tpu.memory_space<vmem>> -> memref<1x4096xf32, #tpu.memory_space<vmem>>
    %dma_wait3A_195 = tpu.memref_squeeze %dma_wait3A_194 : memref<1x4096xf32, #tpu.memory_space<vmem>> -> memref<4096xf32, #tpu.memory_space<vmem>>
    tpu.wait_dma2 semaphore(%arg8 : memref<!tpu.dma_semaphore, #tpu.memory_space<semaphore_mem>>) src(%dma_wait3A_195 : memref<4096xf32, #tpu.memory_space<vmem>>) dst(%dma_wait3A_192 : memref<4096xf32, #tpu.memory_space<hbm>>)
    %parallel_loop3A_196 = arith.constant 0 : i32
    %parallel_loop3A_197 = arith.constant 4096 : i32
    %parallel_loop3A_198 = arith.constant 16 : i32
    scf.for %parallel_loop3A_238 = %parallel_loop3A_196 to %parallel_loop3A_197 step %parallel_loop3A_198  : i32 {
      %parallel_loop3A_239 = arith.constant 12288 : i32
      %parallel_loop3A_240 = arith.addi %parallel_loop3A_239, %parallel_loop3A_238 : i32
      %parallel_loop3A_241 = arith.index_cast %parallel_loop3A_240 : i32 to index
      %parallel_loop3A_242 = tpu.vector_load %arg6[%parallel_loop3A_241] {strides = array<i32>} : memref<16384xi32, #tpu.memory_space<vmem>>, vector<16xi32>,
      %parallel_loop3A_243 = tpu.vector_load_idx %arg5[%parallel_loop3A_242] : memref<100001xf32, #tpu.memory_space<vmem>>[vector<16xi32>], vector<16xf32>,
      %parallel_loop3A_244 = arith.constant 1 : i32
      %parallel_loop3A_245 = arith.index_cast %parallel_loop3A_244 : i32 to index
      %parallel_loop3A_246 = arith.index_cast %parallel_loop3A_238 : i32 to index
      %parallel_loop3A_247 = tpu.vector_load %arg7[%parallel_loop3A_245, %parallel_loop3A_246] {strides = array<i32>} : memref<2x4096xf32, #tpu.memory_space<vmem>>, vector<16xf32>,
      tpu.vector_store %arg7[%parallel_loop3A_245, %parallel_loop3A_246], %parallel_loop3A_243 {strides = array<i32>} : memref<2x4096xf32, #tpu.memory_space<vmem>>, vector<16xf32>,
    } {sc.loop_unroll_factor = 8 : i64, sc.parallel_access}
    %dma_start3A_199 = arith.constant 1 : i32
    %dma_start3A_200 = arith.constant 0 : i32
    %dma_start3A_201 = tpu.memref_slice %arg7[%dma_start3A_199, %dma_start3A_200] : memref<2x4096xf32, #tpu.memory_space<vmem>> -> memref<1x4096xf32, #tpu.memory_space<vmem>>
    %dma_start3A_202 = tpu.memref_squeeze %dma_start3A_201 : memref<1x4096xf32, #tpu.memory_space<vmem>> -> memref<4096xf32, #tpu.memory_space<vmem>>
    %dma_start3A_203 = arith.constant 12288 : i32
    %dma_start3A_204 = tpu.memref_slice %arg4[%add3A_95, %dma_start3A_203] : memref<64x16384xf32, #tpu.memory_space<hbm>> -> memref<1x4096xf32, #tpu.memory_space<hbm>>
    %dma_start3A_205 = tpu.memref_squeeze %dma_start3A_204 : memref<1x4096xf32, #tpu.memory_space<hbm>> -> memref<4096xf32, #tpu.memory_space<hbm>>
    %dma_start3A_206 = arith.constant 12288 : i32
    %dma_start3A_207 = tpu.memref_slice %arg4[%add3A_95, %dma_start3A_206] : memref<64x16384xf32, #tpu.memory_space<hbm>> -> memref<1x4096xf32, #tpu.memory_space<hbm>>
    %dma_start3A_208 = tpu.memref_squeeze %dma_start3A_207 : memref<1x4096xf32, #tpu.memory_space<hbm>> -> memref<4096xf32, #tpu.memory_space<hbm>>
    %dma_start3A_209 = arith.constant 0 : i32
    %dma_start3A_210 = tpu.memref_slice %arg7[%dma_start3A_199, %dma_start3A_209] : memref<2x4096xf32, #tpu.memory_space<vmem>> -> memref<1x4096xf32, #tpu.memory_space<vmem>>
    %dma_start3A_211 = tpu.memref_squeeze %dma_start3A_210 : memref<1x4096xf32, #tpu.memory_space<vmem>> -> memref<4096xf32, #tpu.memory_space<vmem>>
    tpu.enqueue_dma source(%dma_start3A_211 : memref<4096xf32, #tpu.memory_space<vmem>>) target(%dma_start3A_208 : memref<4096xf32, #tpu.memory_space<hbm>>) target_semaphore(%arg8 : memref<!tpu.dma_semaphore, #tpu.memory_space<semaphore_mem>>)
    %dma_wait3A_212 = arith.constant 0 : i32
    %dma_wait3A_213 = arith.constant 0 : i32
    %dma_wait3A_214 = tpu.memref_slice %arg7[%dma_wait3A_212, %dma_wait3A_213] : memref<2x4096xf32, #tpu.memory_space<vmem>> -> memref<1x4096xf32, #tpu.memory_space<vmem>>
    %dma_wait3A_215 = tpu.memref_squeeze %dma_wait3A_214 : memref<1x4096xf32, #tpu.memory_space<vmem>> -> memref<4096xf32, #tpu.memory_space<vmem>>
    %dma_wait3A_216 = arith.constant 8192 : i32
    %dma_wait3A_217 = tpu.memref_slice %arg4[%add3A_95, %dma_wait3A_216] : memref<64x16384xf32, #tpu.memory_space<hbm>> -> memref<1x4096xf32, #tpu.memory_space<hbm>>
    %dma_wait3A_218 = tpu.memref_squeeze %dma_wait3A_217 : memref<1x4096xf32, #tpu.memory_space<hbm>> -> memref<4096xf32, #tpu.memory_space<hbm>>
    %dma_wait3A_219 = arith.constant 8192 : i32
    %dma_wait3A_220 = tpu.memref_slice %arg4[%add3A_95, %dma_wait3A_219] : memref<64x16384xf32, #tpu.memory_space<hbm>> -> memref<1x4096xf32, #tpu.memory_space<hbm>>
    %dma_wait3A_221 = tpu.memref_squeeze %dma_wait3A_220 : memref<1x4096xf32, #tpu.memory_space<hbm>> -> memref<4096xf32, #tpu.memory_space<hbm>>
    %dma_wait3A_222 = arith.constant 0 : i32
    %dma_wait3A_223 = tpu.memref_slice %arg7[%dma_wait3A_212, %dma_wait3A_222] : memref<2x4096xf32, #tpu.memory_space<vmem>> -> memref<1x4096xf32, #tpu.memory_space<vmem>>
    %dma_wait3A_224 = tpu.memref_squeeze %dma_wait3A_223 : memref<1x4096xf32, #tpu.memory_space<vmem>> -> memref<4096xf32, #tpu.memory_space<vmem>>
    tpu.wait_dma2 semaphore(%arg8 : memref<!tpu.dma_semaphore, #tpu.memory_space<semaphore_mem>>) src(%dma_wait3A_224 : memref<4096xf32, #tpu.memory_space<vmem>>) dst(%dma_wait3A_221 : memref<4096xf32, #tpu.memory_space<hbm>>)
    %dma_wait3A_225 = arith.constant 1 : i32
    %dma_wait3A_226 = arith.constant 0 : i32
    %dma_wait3A_227 = tpu.memref_slice %arg7[%dma_wait3A_225, %dma_wait3A_226] : memref<2x4096xf32, #tpu.memory_space<vmem>> -> memref<1x4096xf32, #tpu.memory_space<vmem>>
    %dma_wait3A_228 = tpu.memref_squeeze %dma_wait3A_227 : memref<1x4096xf32, #tpu.memory_space<vmem>> -> memref<4096xf32, #tpu.memory_space<vmem>>
    %dma_wait3A_229 = arith.constant 12288 : i32
    %dma_wait3A_230 = tpu.memref_slice %arg4[%add3A_95, %dma_wait3A_229] : memref<64x16384xf32, #tpu.memory_space<hbm>> -> memref<1x4096xf32, #tpu.memory_space<hbm>>
    %dma_wait3A_231 = tpu.memref_squeeze %dma_wait3A_230 : memref<1x4096xf32, #tpu.memory_space<hbm>> -> memref<4096xf32, #tpu.memory_space<hbm>>
    %dma_wait3A_232 = arith.constant 12288 : i32
    %dma_wait3A_233 = tpu.memref_slice %arg4[%add3A_95, %dma_wait3A_232] : memref<64x16384xf32, #tpu.memory_space<hbm>> -> memref<1x4096xf32, #tpu.memory_space<hbm>>
    %dma_wait3A_234 = tpu.memref_squeeze %dma_wait3A_233 : memref<1x4096xf32, #tpu.memory_space<hbm>> -> memref<4096xf32, #tpu.memory_space<hbm>>
    %dma_wait3A_235 = arith.constant 0 : i32
    %dma_wait3A_236 = tpu.memref_slice %arg7[%dma_wait3A_225, %dma_wait3A_235] : memref<2x4096xf32, #tpu.memory_space<vmem>> -> memref<1x4096xf32, #tpu.memory_space<vmem>>
    %dma_wait3A_237 = tpu.memref_squeeze %dma_wait3A_236 : memref<1x4096xf32, #tpu.memory_space<vmem>> -> memref<4096xf32, #tpu.memory_space<vmem>>
    tpu.wait_dma2 semaphore(%arg8 : memref<!tpu.dma_semaphore, #tpu.memory_space<semaphore_mem>>) src(%dma_wait3A_237 : memref<4096xf32, #tpu.memory_space<vmem>>) dst(%dma_wait3A_234 : memref<4096xf32, #tpu.memory_space<hbm>>)
    return
  }
}

module attributes {stable_mosaic.version = 14 : i64} {
  func.func @_mlp_body(%arg0: i32, %arg1: memref<64x8192xf32, #tpu.memory_space<vmem>>, %arg2: memref<128x64xf32, #tpu.memory_space<vmem>>, %arg3: memref<128x1xf32, #tpu.memory_space<vmem>>, %arg4: memref<64x128xf32, #tpu.memory_space<vmem>>, %arg5: memref<64x1xf32, #tpu.memory_space<vmem>>, %arg6: memref<32x64xf32, #tpu.memory_space<vmem>>, %arg7: memref<32x1xf32, #tpu.memory_space<vmem>>, %arg8: memref<32x8192xf32, #tpu.memory_space<vmem>>) attributes {dimension_semantics = [#tpu.dimension_semantics<arbitrary>], iteration_bounds = array<i64: 2>, scalar_prefetch = 0 : i64, scratch_operands = 0 : i64, tpu.core_type = #tpu.core_type<tc>, window_params = [{transform_indices = @transform_0, window_bounds = array<i64: 64, 8192>}, {pipeline_mode = #tpu.pipeline_mode<synchronous>, transform_indices = @transform_1, window_bounds = array<i64: 128, 64>}, {pipeline_mode = #tpu.pipeline_mode<synchronous>, transform_indices = @transform_2, window_bounds = array<i64: 128, 1>}, {pipeline_mode = #tpu.pipeline_mode<synchronous>, transform_indices = @transform_3, window_bounds = array<i64: 64, 128>}, {pipeline_mode = #tpu.pipeline_mode<synchronous>, transform_indices = @transform_4, window_bounds = array<i64: 64, 1>}, {pipeline_mode = #tpu.pipeline_mode<synchronous>, transform_indices = @transform_5, window_bounds = array<i64: 32, 64>}, {pipeline_mode = #tpu.pipeline_mode<synchronous>, transform_indices = @transform_6, window_bounds = array<i64: 32, 1>}, {transform_indices = @transform_7, window_bounds = array<i64: 32, 8192>}]} {
    %get3A = arith.constant 0 : index
    %get3A_0 = arith.constant 0 : index
    %get3A_1 = vector.load %arg2[%get3A, %get3A_0] : memref<128x64xf32, #tpu.memory_space<vmem>>, vector<128x64xf32>
    %get3A_2 = arith.constant 0 : index
    %get3A_3 = arith.constant 0 : index
    %get3A_4 = vector.load %arg1[%get3A_2, %get3A_3] : memref<64x8192xf32, #tpu.memory_space<vmem>>, vector<64x8192xf32>
    %dot_general3A = arith.constant dense<0.000000e+00> : vector<128x8192xf32>
    %dot_general3A_5 = tpu.matmul %get3A_1, %get3A_4, %dot_general3A {dimension_numbers = #tpu.dot_dimension_numbers<[1], [0], [0], [1], [0, 0, 1, 1], [], []>, transpose_lhs_hint = false} : vector<128x64xf32>, vector<64x8192xf32>, vector<128x8192xf32> -> vector<128x8192xf32>
    %get3A_6 = arith.constant 0 : index
    %get3A_7 = arith.constant 0 : index
    %get3A_8 = vector.load %arg3[%get3A_6, %get3A_7] : memref<128x1xf32, #tpu.memory_space<vmem>>, vector<128x1xf32>
    %add3A = vector.broadcast %get3A_8 : vector<128x1xf32> to vector<128x8192xf32>
    %add3A_9 = arith.addf %dot_general3A_5, %add3A : vector<128x8192xf32>
    %max3A = arith.constant 0.000000e+00 : f32
    %max3A_10 = vector.broadcast %max3A : f32 to vector<128x8192xf32>
    %max3A_11 = arith.maximumf %add3A_9, %max3A_10 : vector<128x8192xf32>
    %get3A_12 = arith.constant 0 : index
    %get3A_13 = arith.constant 0 : index
    %get3A_14 = vector.load %arg4[%get3A_12, %get3A_13] : memref<64x128xf32, #tpu.memory_space<vmem>>, vector<64x128xf32>
    %dot_general3A_15 = arith.constant dense<0.000000e+00> : vector<64x8192xf32>
    %dot_general3A_16 = tpu.matmul %get3A_14, %max3A_11, %dot_general3A_15 {dimension_numbers = #tpu.dot_dimension_numbers<[1], [0], [0], [1], [0, 0, 1, 1], [], []>, transpose_lhs_hint = false} : vector<64x128xf32>, vector<128x8192xf32>, vector<64x8192xf32> -> vector<64x8192xf32>
    %get3A_17 = arith.constant 0 : index
    %get3A_18 = arith.constant 0 : index
    %get3A_19 = vector.load %arg5[%get3A_17, %get3A_18] : memref<64x1xf32, #tpu.memory_space<vmem>>, vector<64x1xf32>
    %add3A_20 = vector.broadcast %get3A_19 : vector<64x1xf32> to vector<64x8192xf32>
    %add3A_21 = arith.addf %dot_general3A_16, %add3A_20 : vector<64x8192xf32>
    %max3A_22 = arith.constant 0.000000e+00 : f32
    %max3A_23 = vector.broadcast %max3A_22 : f32 to vector<64x8192xf32>
    %max3A_24 = arith.maximumf %add3A_21, %max3A_23 : vector<64x8192xf32>
    %get3A_25 = arith.constant 0 : index
    %get3A_26 = arith.constant 0 : index
    %get3A_27 = vector.load %arg6[%get3A_25, %get3A_26] : memref<32x64xf32, #tpu.memory_space<vmem>>, vector<32x64xf32>
    %dot_general3A_28 = arith.constant dense<0.000000e+00> : vector<32x8192xf32>
    %dot_general3A_29 = tpu.matmul %get3A_27, %max3A_24, %dot_general3A_28 {dimension_numbers = #tpu.dot_dimension_numbers<[1], [0], [0], [1], [0, 0, 1, 1], [], []>, transpose_lhs_hint = false} : vector<32x64xf32>, vector<64x8192xf32>, vector<32x8192xf32> -> vector<32x8192xf32>
    %get3A_30 = arith.constant 0 : index
    %get3A_31 = arith.constant 0 : index
    %get3A_32 = vector.load %arg7[%get3A_30, %get3A_31] : memref<32x1xf32, #tpu.memory_space<vmem>>, vector<32x1xf32>
    %add3A_33 = vector.broadcast %get3A_32 : vector<32x1xf32> to vector<32x8192xf32>
    %add3A_34 = arith.addf %dot_general3A_29, %add3A_33 : vector<32x8192xf32>
    %swap3A = arith.constant 0 : index
    %swap3A_35 = arith.constant 0 : index
    %swap3A_36 = vector.load %arg8[%swap3A, %swap3A_35] : memref<32x8192xf32, #tpu.memory_space<vmem>>, vector<32x8192xf32>
    tpu.vector_store %arg8[%swap3A, %swap3A_35], %add3A_34 {strides = array<i32>} : memref<32x8192xf32, #tpu.memory_space<vmem>>, vector<32x8192xf32>,
    return
  }
  func.func @transform_0(%arg0: i32) -> (i32, i32) {
    %c0_i32 = arith.constant 0 : i32
    %c0_i32_0 = arith.constant 0 : i32
    return %c0_i32, %arg0 : i32, i32
  }
  func.func @transform_1(%arg0: i32) -> (i32, i32) {
    %c0_i32 = arith.constant 0 : i32
    %c0_i32_0 = arith.constant 0 : i32
    %c0_i32_1 = arith.constant 0 : i32
    return %c0_i32, %c0_i32_0 : i32, i32
  }
  func.func @transform_2(%arg0: i32) -> (i32, i32) {
    %c0_i32 = arith.constant 0 : i32
    %c0_i32_0 = arith.constant 0 : i32
    %c0_i32_1 = arith.constant 0 : i32
    return %c0_i32, %c0_i32_0 : i32, i32
  }
  func.func @transform_3(%arg0: i32) -> (i32, i32) {
    %c0_i32 = arith.constant 0 : i32
    %c0_i32_0 = arith.constant 0 : i32
    %c0_i32_1 = arith.constant 0 : i32
    return %c0_i32, %c0_i32_0 : i32, i32
  }
  func.func @transform_4(%arg0: i32) -> (i32, i32) {
    %c0_i32 = arith.constant 0 : i32
    %c0_i32_0 = arith.constant 0 : i32
    %c0_i32_1 = arith.constant 0 : i32
    return %c0_i32, %c0_i32_0 : i32, i32
  }
  func.func @transform_5(%arg0: i32) -> (i32, i32) {
    %c0_i32 = arith.constant 0 : i32
    %c0_i32_0 = arith.constant 0 : i32
    %c0_i32_1 = arith.constant 0 : i32
    return %c0_i32, %c0_i32_0 : i32, i32
  }
  func.func @transform_6(%arg0: i32) -> (i32, i32) {
    %c0_i32 = arith.constant 0 : i32
    %c0_i32_0 = arith.constant 0 : i32
    %c0_i32_1 = arith.constant 0 : i32
    return %c0_i32, %c0_i32_0 : i32, i32
  }
  func.func @transform_7(%arg0: i32) -> (i32, i32) {
    %c0_i32 = arith.constant 0 : i32
    %c0_i32_0 = arith.constant 0 : i32
    return %c0_i32, %arg0 : i32, i32
  }
}

</mosaic_0001>

<sc_bundles>
// kernel: kernel.4.cloned.1.call-start
scs
__scs_entry_jumppad:
0x0: {  	(pc) =	sbr.rel $0x88, $3  }
0x1: {  	(tag) =	ssettag $0x0;
	lr =	simm.s32 $0x1  }
0x2: {  	[smem:$0x3F99] =	sst lr;
	_ =	strace $0xD0000000  }
0x3: {  	_ = 	snop  }
0x4: {  	_ = 	snop  }
0x5: {  	_ = 	snop  }
0x6: {  	_ = 	snop  }
0x7: {  	_ = 	snop  }
__scs_overlays_trampoline_lowered:
0x8: {  	[smem:$0x3FA8] =	sst s0  }
0x9: {  	[smem:$0x3FA9] =	sst s1  }
0xa: {  	[smem:$0x3FAA] =	sst s2  }
0xb: {  	[smem:$0x3FAB] =	sst s3  }
0xc: {  	[smem:$0x3FAC] =	sst s4  }
0xd: {  	[smem:$0x3FAD] =	sst s5  }
0xe: {  	[smem:$0x3FAE] =	sst s6  }
0xf: {  	[smem:$0x3FAF] =	sst s7  }
0x10: {  	[smem:$0x3FB0] =	sst s8  }
0x11: {  	[smem:$0x3FB1] =	sst s9;
	s0 =	simm.s32 @!p0 $0x0  }
0x12: {  	s1 =	sld [smem:$0x3F97];
	s0 =	simm.s32 @p0 $0x1  }
0x13: {  	[smem:$0x3FB2] =	sst s0;
	s0 =	simm.s32 @!p1 $0x0  }
0x14: {  	s2 =	sld [smem:$0x3F96];
	s0 =	simm.s32 @p1 $0x1  }
0x15: {  	[smem:$0x3FB3] =	sst s0;
	s0 =	simm.s32 @!p2 $0x0  }
0x16: {  	s3 =	sld [smem:$0x3FDB];
	s0 =	simm.s32 @p2 $0x1  }
0x17: {  	s4 =	simm.s32 $0x1BF5;
	[smem:$0x3FB5] =	sst s0  }
0x18: {  	s0 =	sld [smem:$0x3F98];
	_ =	swait.ge [sflag:s4], $0x0  }
0x19: {  	s7 =	sld [smem:$0x3F99]  }
0x1a: {  	s8 =	sadd.s32 $0xFFFFE003, lr  }
0x1b: {  	s9 =	sadd.s32 $0xFFFFFEF7, lr;
	s5 =	simm.s32 $0xFFFFFFFF;
	p2 =	slt.u32 s8, $0xFFFFF086  }
0x1c: {  	p1 =	slt.u32 s9, $0xF7A;
	s5 =	simm.s32 @!p2 $0x0  }
0x1d: {  	s5 =	simm.s32 @p1 $0x1;
	p0 =	seq.s32 s7, s2  }
0x1e: {  	s7 =	smul.u32 @!p0 $0xF7A, s2;
	p2 =	seq.s32 @!p0 s5, $0x0  }
0x1f: {  	s9 =	smul.u32 $0xF7A, s1;
	s8 =	simm.s32 @!p0 $0x1BF5;
	p2 =	por !p2, p0  }
0x20: {  	[sflag:s8] =	ssyncset.s32 @!p0 $0xFFFFF086;
	s6 =	sadd.s32 @!p0 s3, s7;
	s7 =	simm.s32 @!p0 $0x108  }
0x21: {  	s3 =	sadd.s32 s3, s9;
	s6 =	sadd.s32 @!p0 $0x88, s6;
	s7 =	simm.s32 @p2 $0x1082  }
0x22: {  	[simem:s7], [sflag:s8] =	dma.local @!p0 [hbm:s6], $0xF7A  }
0x23: {  	s9 =	sor.u32 $0xD0000000, s2;
	s6 =	simm.s32 $0x108;
	_ =	swait.ge @!p0 [sflag:s8], $0x0  }
0x24: {  	s3 =	sadd.s32 $0x88, s3;
	s6 =	simm.s32 @!p1 $0x1082;
	[sflag:s4] =	ssyncset.s32 $0xFFFFF086  }
0x25: {  	[simem:s6], [sflag:s4] =	dma.local [hbm:s3], $0xF7A  }
0x26: {  	[smem:$0x3F99] =	sst s1;
	(tag) =	ssettag s2;
	_ =	strace s9  }
0x27: {  	s1 =	sld [smem:$0x3FA9]  }
0x28: {  	s2 =	sld [smem:$0x3FAA]  }
0x29: {  	s4 =	sld [smem:$0x3FAC]  }
0x2a: {  	p0 =	seq.s32 s5, $0x0;
	s5 =	sld [smem:$0x3FAD]  }
0x2b: {  	s6 =	sld [smem:$0x3FAE]  }
0x2c: {  	s7 =	sld [smem:$0x3FAF]  }
0x2d: {  	s3 =	simm.s32 $0x108;
	s8 =	sld [smem:$0x3FB0]  }
0x2e: {  	s3 =	simm.s32 @!p0 $0x1082;
	s9 =	sld [smem:$0x3FB1]  }
0x2f: {  	lr =	sadd.s32 s0, s3;
	s0 =	sld [smem:$0x3FA8]  }
0x30: {  	s3 =	sld [smem:$0x3FAB]  }
0x31: {  	[smem:$0x3FB4] =	sst s10  }
0x32: {  	s10 =	sld [smem:$0x3FB2];
	_ =	sdelay $0x3  }
0x33: {  	p0 =	seq.s32 s10, $0x1;
	s10 =	sld [smem:$0x3FB4];
	_ =	sdelay $0x3  }
0x34: {  	[smem:$0x3FB4] =	sst s10  }
0x35: {  	s10 =	sld [smem:$0x3FB3];
	_ =	sdelay $0x3  }
0x36: {  	p1 =	seq.s32 s10, $0x1;
	s10 =	sld [smem:$0x3FB4];
	_ =	sdelay $0x3  }
0x37: {  	[smem:$0x3FB4] =	sst s10  }
0x38: {  	s10 =	sld [smem:$0x3FB5]  }
0x39: {  	_ = 	snop;
	(pc) =	sbr.ind lr, $3  }
0x3a: {  	_ = 	snop  }
0x3b: {  	_ = 	snop  }
0x3c: {  	p2 =	seq.s32 s10, $0x1;
	s10 =	sld [smem:$0x3FB4]  }
0x3d: {  	_ =	shalt  }
0x3e: {  	_ =	shalt  }
0x3f: {  	_ =	shalt  }
0x40: {  	_ =	shalt  }
0x41: {  	_ =	shalt  }
0x42: {  	_ =	shalt  }
0x43: {  	_ =	shalt  }
0x44: {  	_ =	shalt  }
0x45: {  	_ =	shalt  }
0x46: {  	_ =	shalt  }
0x47: {  	_ =	shalt  }
0x48: {  	_ =	shalt  }
0x49: {  	_ =	shalt  }
0x4a: {  	_ =	shalt  }
0x4b: {  	_ =	shalt  }
0x4c: {  	_ =	shalt  }
0x4d: {  	_ =	shalt  }
0x4e: {  	_ =	shalt  }
0x4f: {  	_ =	shalt  }
0x50: {  	_ =	shalt  }
0x51: {  	_ =	shalt  }
0x52: {  	_ =	shalt  }
0x53: {  	_ =	shalt  }
0x54: {  	_ =	shalt  }
0x55: {  	_ =	shalt  }
0x56: {  	_ =	shalt  }
0x57: {  	_ =	shalt  }
0x58: {  	_ =	shalt  }
0x59: {  	_ =	shalt  }
0x5a: {  	_ =	shalt  }
0x5b: {  	_ =	shalt  }
0x5c: {  	_ =	shalt  }
0x5d: {  	_ =	shalt  }
0x5e: {  	_ =	shalt  }
0x5f: {  	_ =	shalt  }
0x60: {  	_ =	shalt  }
0x61: {  	_ =	shalt  }
0x62: {  	_ =	shalt  }
0x63: {  	_ =	shalt  }
0x64: {  	_ =	shalt  }
0x65: {  	_ =	shalt  }
0x66: {  	_ =	shalt  }
0x67: {  	_ =	shalt  }
0x68: {  	_ =	shalt  }
0x69: {  	_ =	shalt  }
0x6a: {  	_ =	shalt  }
0x6b: {  	_ =	shalt  }
0x6c: {  	_ =	shalt  }
0x6d: {  	_ =	shalt  }
0x6e: {  	_ =	shalt  }
0x6f: {  	_ =	shalt  }
0x70: {  	_ =	shalt  }
0x71: {  	_ =	shalt  }
0x72: {  	_ =	shalt  }
0x73: {  	_ =	shalt  }
0x74: {  	_ =	shalt  }
0x75: {  	_ =	shalt  }
0x76: {  	_ =	shalt  }
0x77: {  	_ =	shalt  }
0x78: {  	_ =	shalt  }
0x79: {  	_ =	shalt  }
0x7a: {  	_ =	shalt  }
0x7b: {  	_ =	shalt  }
0x7c: {  	_ =	shalt  }
0x7d: {  	_ =	shalt  }
0x7e: {  	_ =	shalt  }
0x7f: {  	_ =	shalt  }
0x80: {  	_ =	shalt  }
0x81: {  	_ =	shalt  }
0x82: {  	_ =	shalt  }
0x83: {  	_ =	shalt  }
0x84: {  	_ =	shalt  }
0x85: {  	_ =	shalt  }
0x86: {  	_ =	shalt  }
0x87: {  	_ =	shalt  }
.Lfunc_end0:
.L_simem_size_0:
called_computation_lowered:
.L_overlay_start_0:
0x88: {  	s2 =	sld [smem:$0x3FD9]  }
0x89: {  	s3 =	sld [smem:$0x3FFE];
	_ =	sdelay $0x1  }
0x8a: {  	s1 =	srdreg.scid  }
0x8b: {  	s0 =	sand.u32 $0x1, s1  }
0x8c: {  	s17 =	sshll.u32 s0, $0xA;
	s2 =	sadd.s32 s3, s2  }
0x8d: {  	s2 =	sadd.s32 s2, s17  }
0x8e: {  	[smem:$0x3FC0] =	sst s2  }
0x8f: {  	_ = 	snop  }
0x90: {  	s2 =	sld [smem:$0x3FC9]  }
0x91: {  	s18 =	sld [smem:$0x3FC8];
	(tm) =	ssettm $0x1  }
0x92: {  	s4 =	sld [smem:$0x3FFB];
	_ =	sdelay $0x3  }
0x93: {  	_ =	strace s4  }
0x94: {  	s4 =	sld [smem:$0x3FFC];
	_ =	sdelay $0x3  }
0x95: {  	_ =	strace s4  }
0x96: {  	s4 =	sld [smem:$0x3FFD];
	_ =	sdelay $0x3  }
0x97: {  	_ =	strace s4  }
0x98: {  	_ =	strace $0x8FFFFFFF  }
0x99: {  	s19 =	sld [smem:$0x3FDB];
	_ =	sdelay $0x1  }
0x9a: {  	s5 =	simm.s32 $_scs_section_size  }
0x9b: {  	s6 =	simm.s32 $_size__tile_overlayer_lowered;
	s7 =	simm.s32 $_tile_overlayer_lowered  }
0x9c: {  	s22 =	simm.s32 $0x1BFF;
	s21 =	sshll.u32 s7, $0x1;
	s4 =	sadd.s32 s5, s19  }
0x9d: {  	s8 =	simm.s32 $0x0;
	s20 =	sshll.u32 s6, $0x1;
	s6 =	sadd.s32 s21, s4  }
0x9e: {  	[timem:s8], [sflag:s22] =	dma.local [hbm:s6], s20  }
0x9f: {  	_ =	swait.ge [sflag:s22], s20  }
0xa0: {  	s5 =	ssub.s32 $0x0, s20;
	[sflag:s22] =	ssyncset.done $0x0  }
0xa1: {  	[sflag:s22] =	ssyncadd.s32 s5;
	_ =	sdelay $0x1  }
0xa2: {  	s23 =	simm.s32 $0x1B8B  }
0xa3: {  	_ =	swait.ge [sflag:s23], $0x1  }
0xa4: {  	[sflag:s23] =	ssyncset.done $0x0  }
0xa5: {  	s25 =	simm.s32 $0x1B8E;
	s24 =	sld [smem:$0x3FFE];
	[sflag:s23] =	ssyncadd.s32 $0xFFFFFFFF  }
0xa6: {  	s26 =	simm.s32 $execute0_lowered;
	[smem:$0x3FD2] =	sst s25  }
0xa7: {  	s6 =	sshll.u32 s26, $0x1;
	_ =	strace $0x80000046;
	[dreg:$0x1] =	wrdreg $0xFFFFFFFF  }
0xa8: {  	s28 =	simm.s32 $_size_execute0_lowered;
	s4 =	sadd.s32 s4, s6;
	[dreg:$0x0] =	wrdreg $0x0  }
0xa9: {  	s6 =	sshll.u32 s28, $0x1;
	[dreg:$0x2] =	wrdreg s4  }
0xaa: {  	[dreg:$0x3] =	wrdreg s6  }
0xab: {  	[dreg:$0x4] =	wrdreg $0xC0  }
0xac: {  	_ =	task [dreg:s8], $0x5FFFF  }
0xad: {  	[dreg:$0x1] =	wrdreg $0xFFFFFFFF  }
0xae: {  	[dreg:$0x0] =	wrdreg $0x60  }
0xaf: {  	[dreg:$0x2] =	wrdreg s18  }
0xb0: {  	[dreg:$0x3] =	wrdreg s2  }
0xb1: {  	[dreg:$0x4] =	wrdreg s24  }
0xb2: {  	[dreg:$0x5] =	wrdreg $0x9  }
0xb3: {  	_ =	task.clear_ibuf [dreg:s8], $0x6FFFF;
	_ =	strace $0x90000046  }
0xb4: {  	s29 =	simm.s32 $0x9;
	_ =	strace $0x80000048  }
0xb5: {  	_ =	swait.ge [sflag:s29], $0x1  }
0xb6: {  	[sflag:s29] =	ssyncadd.s32 $0xFFFFFFFF  }
0xb7: {  	_ =	strace $0x90000048  }
0xb8: {  	_ =	sfence  }
0xb9: {  	s30 =	sld [smem:$0x0];
	_ =	sdelay $0x2  }
0xba: {  	s31 =	sshll.u32 s1, $0xD;
	s1 =	sshrl.u32 s1, $0x2  }
0xbb: {  	s3 =	sand.u32 $0x4000, s31;
	s1 =	sadd.s32 s1, s30  }
0xbc: {  	s0 =	sor.u32 s3, s0;
	s1 =	sshll.u32 s1, $0x11  }
0xbd: {  	s0 =	sor.u32 s1, s0  }
0xbe: {  	s0 =	sadd.s32 $0x8F2B, s0  }
0xbf: {  	[sflag:s0] =	ssyncadd.remote.s32 $0x1  }
0xc0: {  	_ =	sfence.sel $0xFFFF  }
0xc1: {  	[dreg:$0x0] =	wrdreg $0xFFFFFFFF;
	(pc) =	sbr.abs _section_cstart, $3  }
0xc2: {  	[dreg:$0x1] =	wrdreg $0xFFFFFFFF  }
0xc3: {  	_ =	task.clear_ibuf [dreg:s8], $0x2FFFF;
	_ =	strace $0x9FFFFFFF  }
0xc4: {  	(tm) =	ssettm $0x7FFFFFFF  }
0xc5: {  	_ =	shalt  }
tec
execute0_lowered:
.L_overlay_start_1:
0x0: {  	(tag) =	ssettag $0x1  }
0x1: {  	s9 =	rddreg [dreg:$0x0]  }
0x2: {  	s1 =	rddreg [dreg:$0x1]  }
0x3: {  	s8 =	rddreg [dreg:$0x2]  }
0x4: {  	s0 =	rddreg [dreg:$0x3];
	s3 =	simm.s32 $0x0  }
0x5: {  	s4 =	srdreg.scid;
	s2 =	stileid.u32;
	s19 =	simm.s32 $0x1  }
0x6: {  	s20 =	simm.s32 $0x0;
	[smem:$0x7FF] =	sst s3;
	s4 =	sand.u32 $0x1, s4  }
0x7: {  	s5 =	sshll.u32 s2, $0x9;
	s6 =	sshrl.u32 s2, $0x1;
	s11 =	sadd.s32 $0x1200, s8  }
0x8: {  	s16 =	sadd.s32 $0x2200, s8;
	s17 =	sadd.s32 $0x3200, s8;
	s18 =	sadd.s32 $0x4200, s8  }
0x9: {  	s7 =	sshll.u32 s4, $0x8;
	s5 =	sand.u32 $0x200, s5;
	s10 =	smul.u32 $0xC3800, s6  }
0xa: {  	_ =	strace $0x80000047;
	s4 =	ssub.s32 $0x2, s4;
	s12 =	sor.u32 s7, s5  }
0xb: {  	s13 =	sshll.u32 s6, $0x11;
	s31 =	sshrl.u32 s4, $0x1;
	s5 =	sor.u32 s10, s12  }
0xc: {  	s7 =	sor.u32 s13, s12;
	s14 =	ssub.s32 s4, s31;
	s12 =	sor.u32 $0x80, s12  }
0xd: {  	s5 =	sshrl.u32 s5, $0x3;
	s15 =	sshrl.u32 s7, $0x3;
	s10 =	sor.u32 s10, s12  }
0xe: {  	s12 =	sor.u32 s13, s12;
	s14 =	smax.u32 s14, $0x1;
	s4 =	sadd.s32 s9, s5  }
0xf: {  	s5 =	sadd.s32 s11, s15;
	s6 =	sadd.s32 s15, s16;
	s7 =	sadd.s32 s15, s17  }
0x10: {  	s8 =	sadd.s32 s15, s18;
	s10 =	sshrl.u32 s10, $0x3;
	s13 =	sshrl.u32 s12, $0x3  }
0x11: {  	s15 =	simm.s32 $0x18700;
	s9 =	sadd.s32 s9, s10;
	s10 =	sadd.s32 s11, s13  }
0x12: {  	s11 =	sadd.s32 s13, s16;
	s12 =	sadd.s32 s13, s17;
	s13 =	sadd.s32 s13, s18  }
0x13: {  	s16 =	simm.s32 $0x2;
	s17 =	simm.s32 $0x80;
	s18 =	simm.s32 $0x400  }
.LBB2_1:
0x14: {  	[tilespmem:s15], [sflag:$0x2] =	stream.linear.gather [hbm4b:s1+s3], $0x4000, $0x38;
	[tilespmem:$0x1E700] =	vst v63  }
0x15: {  	_ =	swait.ge [sflag:s16], $0x4000  }
0x16: {  	[sflag:s16] =	ssyncset.done $0x0  }
0x17: {  	[sflag:s16] =	ssyncadd.s32 $0xFFFFC000  }
0x18: {  	[tilespmem:s3], [sflag:$0x2] =	stream.strided.gather [hbm4b:s4+s17], $0x18700, s18, s17, $0x38;
	[tilespmem:$0x1E700] =	vst v63  }
0x19: {  	_ =	swait.ge [sflag:s16], $0x18700  }
0x1a: {  	[sflag:s16] =	ssyncset.done $0x0  }
0x1b: {  	s21 =	simm.s32 $0x18740;
	[sflag:s16] =	ssyncadd.s32 $0xFFFE7900  }
0x1c: {  	v0 =	vld [tilespmem:s21+$0x30]  }
0x1d: {  	v1 =	vld [tilespmem:s21+$0xFFFFFFD0]  }
0x1e: {  	v2 =	vld [tilespmem:s21+$0xFFFFFFE0]  }
0x1f: {  	v3 =	vld [tilespmem:s21+$0xFFFFFFF0]  }
0x20: {  	v4 =	vld [tilespmem:s21+$0x0]  }
0x21: {  	v6 =	vld [tilespmem:s21+$0x10]  }
0x22: {  	v7 =	vld [tilespmem:s21+$0x20]  }
0x23: {  	v8 =	vld [tilespmem:s21+$0xFFFFFFC0]  }
0x24: {  	v9 =	vld.idx.msk [tilespmem:v0+s3+$0x0], $0xffff  }
0x25: {  	v10 =	vld.idx.msk [tilespmem:v1+s3+$0x0], $0xffff  }
0x26: {  	v5 =	vld.idx.msk [tilespmem:v2+s3+$0x0], $0xffff  }
0x27: {  	v3 =	vld.idx.msk [tilespmem:v3+s3+$0x0], $0xffff  }
0x28: {  	v0 =	vld.idx.msk [tilespmem:v4+s3+$0x0], $0xffff  }
0x29: {  	s21 =	simm.s32 $0x1C740;
	v1 =	vld.idx.msk [tilespmem:v6+s3+$0x0], $0xffff  }
0x2a: {  	v2 =	vld.idx.msk [tilespmem:v7+s3+$0x0], $0xffff;
	[tilespmem:s21+$0x30] =	vst v9  }
0x2b: {  	s22 =	simm.s32 $0x0;
	s23 =	simm.s32 $0x187C0;
	v4 =	vld.idx.msk [tilespmem:v8+s3+$0x0], $0xffff;
	[tilespmem:s21+$0xFFFFFFD0] =	vst v10  }
.LBB2_2:
0x2c: {  	v6 =	vld [tilespmem:s23+$0x30];
	s22 =	sadd.s32 $0x80, s22;
	[tilespmem:s21+$0xFFFFFFE0] =	vst v5  }
0x2d: {  	v5 =	vld [tilespmem:s23+$0xFFFFFFD0];
	p0 =	slt.u32 s22, $0xF80;
	[tilespmem:s21+$0xFFFFFFF0] =	vst v3  }
0x2e: {  	v3 =	vld [tilespmem:s23+$0xFFFFFFE0];
	[tilespmem:s21+$0x0] =	vst v0  }
0x2f: {  	v0 =	vld [tilespmem:s23+$0xFFFFFFF0];
	[tilespmem:s21+$0x10] =	vst v1  }
0x30: {  	v1 =	vld [tilespmem:s23+$0x0];
	[tilespmem:s21+$0x20] =	vst v2  }
0x31: {  	v2 =	vld [tilespmem:s23+$0x10];
	[tilespmem:s21+$0xFFFFFFC0] =	vst v4  }
0x32: {  	v4 =	vld [tilespmem:s23+$0x20]  }
0x33: {  	v7 =	vld [tilespmem:s23+$0xFFFFFFC0]  }
0x34: {  	v6 =	vld.idx.msk [tilespmem:v6+s3+$0x0], $0xffff  }
0x35: {  	v8 =	vld.idx.msk [tilespmem:v5+s3+$0x0], $0xffff  }
0x36: {  	v5 =	vld.idx.msk [tilespmem:v3+s3+$0x0], $0xffff  }
.Ltmp0:
0x37: {  	v3 =	vld.idx.msk [tilespmem:v0+s3+$0x0], $0xffff;
	(pc) =	sbr.rel @p0 .LBB2_2-.Ltmp0, $4  }
0x38: {  	v0 =	vld.idx.msk [tilespmem:v1+s3+$0x0], $0xffff  }
0x39: {  	s21 =	sadd.s32 $0x100, s21;
	v1 =	vld.idx.msk [tilespmem:v2+s3+$0x0], $0xffff  }
0x3a: {  	v2 =	vld.idx.msk [tilespmem:v4+s3+$0x0], $0xffff;
	[tilespmem:s21+$0x30] =	vst v6  }
0x3b: {  	s23 =	sadd.s32 $0x80, s23;
	v4 =	vld.idx.msk [tilespmem:v7+s3+$0x0], $0xffff;
	[tilespmem:s21+$0xFFFFFFD0] =	vst v8  }
0x3c: {  	[tilespmem:s21+$0xFFFFFFE0] =	vst v5  }
0x3d: {  	[tilespmem:s21+$0xFFFFFFF0] =	vst v3  }
0x3e: {  	[tilespmem:s21+$0x0] =	vst v0  }
0x3f: {  	[tilespmem:s21+$0x10] =	vst v1  }
0x40: {  	[tilespmem:s21+$0x20] =	vst v2  }
0x41: {  	s22 =	simm.s32 $0x1C700;
	[tilespmem:s21+$0xFFFFFFC0] =	vst v4;
	s21 =	simm.s32 $0x0  }
.LBB2_4:
0x42: {  	p0 =	sne.s32 s21, $0xF80  }
.Ltmp1:
0x43: {  	_ = 	snop;
	(pc) =	sbr.rel @p0 .LBB2_4-.Ltmp1, $4  }
0x44: {  	_ = 	snop  }
0x45: {  	s23 =	sadd.s32 s21, s5  }
0x46: {  	[hbm4b:s23+s3] =	stream.linear.scatter [tilespmem:s22], [sflag:$0x1], $0x80, $0x38;
	[tilespmem:$0x1E700] =	vst v63  }
0x47: {  	s21 =	sadd.s32 $0x80, s21;
	s22 =	sadd.s32 $0x100, s22  }
0x48: {  	s21 =	simm.s32 $0x19770  }
0x49: {  	v0 =	vld [tilespmem:s21+$0x0]  }
0x4a: {  	v1 =	vld [tilespmem:s21+$0xFFFFFFA0]  }
0x4b: {  	v2 =	vld [tilespmem:s21+$0xFFFFFFB0]  }
0x4c: {  	v3 =	vld [tilespmem:s21+$0xFFFFFFC0]  }
0x4d: {  	v4 =	vld [tilespmem:s21+$0xFFFFFFD0]  }
0x4e: {  	v6 =	vld [tilespmem:s21+$0xFFFFFFE0]  }
0x4f: {  	v7 =	vld [tilespmem:s21+$0xFFFFFFF0]  }
0x50: {  	v8 =	vld [tilespmem:s21+$0xFFFFFF90]  }
0x51: {  	v9 =	vld.idx.msk [tilespmem:v0+s3+$0x0], $0xffff  }
0x52: {  	v10 =	vld.idx.msk [tilespmem:v1+s3+$0x0], $0xffff  }
0x53: {  	v5 =	vld.idx.msk [tilespmem:v2+s3+$0x0], $0xffff  }
0x54: {  	v3 =	vld.idx.msk [tilespmem:v3+s3+$0x0], $0xffff  }
0x55: {  	v0 =	vld.idx.msk [tilespmem:v4+s3+$0x0], $0xffff  }
0x56: {  	s21 =	simm.s32 $0x1C7F0;
	v1 =	vld.idx.msk [tilespmem:v6+s3+$0x0], $0xffff  }
0x57: {  	v2 =	vld.idx.msk [tilespmem:v7+s3+$0x0], $0xffff;
	[tilespmem:s21+$0x0] =	vst v9  }
0x58: {  	s22 =	simm.s32 $0x0;
	s23 =	simm.s32 $0x197F0;
	v4 =	vld.idx.msk [tilespmem:v8+s3+$0x0], $0xffff;
	[tilespmem:s21+$0xFFFFFFA0] =	vst v10  }
.LBB2_6:
0x59: {  	v6 =	vld [tilespmem:s23+$0x0];
	s22 =	sadd.s32 $0x80, s22;
	[tilespmem:s21+$0xFFFFFFB0] =	vst v5  }
0x5a: {  	v5 =	vld [tilespmem:s23+$0xFFFFFFA0];
	p0 =	slt.u32 s22, $0xF80;
	[tilespmem:s21+$0xFFFFFFC0] =	vst v3  }
0x5b: {  	v3 =	vld [tilespmem:s23+$0xFFFFFFB0];
	[tilespmem:s21+$0xFFFFFFD0] =	vst v0  }
0x5c: {  	v0 =	vld [tilespmem:s23+$0xFFFFFFC0];
	[tilespmem:s21+$0xFFFFFFE0] =	vst v1  }
0x5d: {  	v1 =	vld [tilespmem:s23+$0xFFFFFFD0];
	[tilespmem:s21+$0xFFFFFFF0] =	vst v2  }
0x5e: {  	v2 =	vld [tilespmem:s23+$0xFFFFFFE0];
	[tilespmem:s21+$0xFFFFFF90] =	vst v4  }
0x5f: {  	v4 =	vld [tilespmem:s23+$0xFFFFFFF0]  }
0x60: {  	v7 =	vld [tilespmem:s23+$0xFFFFFF90]  }
0x61: {  	v6 =	vld.idx.msk [tilespmem:v6+s3+$0x0], $0xffff  }
0x62: {  	v8 =	vld.idx.msk [tilespmem:v5+s3+$0x0], $0xffff  }
0x63: {  	v5 =	vld.idx.msk [tilespmem:v3+s3+$0x0], $0xffff  }
.Ltmp2:
0x64: {  	v3 =	vld.idx.msk [tilespmem:v0+s3+$0x0], $0xffff;
	(pc) =	sbr.rel @p0 .LBB2_6-.Ltmp2, $4  }
0x65: {  	v0 =	vld.idx.msk [tilespmem:v1+s3+$0x0], $0xffff  }
0x66: {  	s21 =	sadd.s32 $0x100, s21;
	v1 =	vld.idx.msk [tilespmem:v2+s3+$0x0], $0xffff  }
0x67: {  	v2 =	vld.idx.msk [tilespmem:v4+s3+$0x0], $0xffff;
	[tilespmem:s21+$0x0] =	vst v6  }
0x68: {  	s23 =	sadd.s32 $0x80, s23;
	v4 =	vld.idx.msk [tilespmem:v7+s3+$0x0], $0xffff;
	[tilespmem:s21+$0xFFFFFFA0] =	vst v8  }
0x69: {  	[tilespmem:s21+$0xFFFFFFB0] =	vst v5  }
0x6a: {  	[tilespmem:s21+$0xFFFFFFC0] =	vst v3  }
0x6b: {  	[tilespmem:s21+$0xFFFFFFD0] =	vst v0  }
0x6c: {  	[tilespmem:s21+$0xFFFFFFE0] =	vst v1  }
0x6d: {  	s22 =	simm.s32 $0x1C780;
	[tilespmem:s21+$0xFFFFFFF0] =	vst v2  }
0x6e: {  	s24 =	sadd.s32 $0x0, s6;
	s23 =	simm.s32 $0x1C880;
	[tilespmem:s21+$0xFFFFFF90] =	vst v4;
	s21 =	simm.s32 $0x80  }
.LBB2_8:
0x6f: {  	[hbm4b:s24+s3] =	stream.linear.scatter [tilespmem:s22], [sflag:$0x1], $0x80, $0x38;
	[tilespmem:$0x1E700] =	vst v63  }
0x70: {  	s24 =	smov.u32 s21;
	s22 =	smov.u32 s23;
	p0 =	sne.s32 s21, $0xF80  }
.Ltmp3:
0x71: {  	s21 =	sadd.s32 $0x80, s21;
	(pc) =	sbr.rel @p0 .LBB2_8-.Ltmp3, $2  }
0x72: {  	_ =	sdelay $0x2  }
0x73: {  	s23 =	sadd.s32 $0x100, s23;
	s24 =	sadd.s32 s24, s6  }
0x74: {  	[hbm4b:s24+s3] =	stream.linear.scatter [tilespmem:s22], [sflag:$0x1], $0x80, $0x38;
	[tilespmem:$0x1E700] =	vst v63  }
0x75: {  	_ =	swait.ge [sflag:s19], $0x1000  }
0x76: {  	[sflag:s19] =	ssyncset.done $0x0  }
0x77: {  	s21 =	simm.s32 $0x1A770;
	[sflag:s19] =	ssyncadd.s32 $0xFFFFF000  }
0x78: {  	v0 =	vld [tilespmem:s21+$0x0]  }
0x79: {  	v1 =	vld [tilespmem:s21+$0xFFFFFFA0]  }
0x7a: {  	v2 =	vld [tilespmem:s21+$0xFFFFFFB0]  }
0x7b: {  	v3 =	vld [tilespmem:s21+$0xFFFFFFC0]  }
0x7c: {  	v4 =	vld [tilespmem:s21+$0xFFFFFFD0]  }
0x7d: {  	v6 =	vld [tilespmem:s21+$0xFFFFFFE0]  }
0x7e: {  	v7 =	vld [tilespmem:s21+$0xFFFFFFF0]  }
0x7f: {  	v8 =	vld [tilespmem:s21+$0xFFFFFF90]  }
0x80: {  	v9 =	vld.idx.msk [tilespmem:v0+s3+$0x0], $0xffff  }
0x81: {  	v10 =	vld.idx.msk [tilespmem:v1+s3+$0x0], $0xffff  }
0x82: {  	v5 =	vld.idx.msk [tilespmem:v2+s3+$0x0], $0xffff  }
0x83: {  	v3 =	vld.idx.msk [tilespmem:v3+s3+$0x0], $0xffff  }
0x84: {  	v0 =	vld.idx.msk [tilespmem:v4+s3+$0x0], $0xffff  }
0x85: {  	s21 =	simm.s32 $0x1C740;
	v1 =	vld.idx.msk [tilespmem:v6+s3+$0x0], $0xffff  }
0x86: {  	v2 =	vld.idx.msk [tilespmem:v7+s3+$0x0], $0xffff;
	[tilespmem:s21+$0x30] =	vst v9  }
0x87: {  	s22 =	simm.s32 $0x0;
	s23 =	simm.s32 $0x1A7F0;
	v4 =	vld.idx.msk [tilespmem:v8+s3+$0x0], $0xffff;
	[tilespmem:s21+$0xFFFFFFD0] =	vst v10  }
.LBB2_10:
0x88: {  	v6 =	vld [tilespmem:s23+$0x0];
	s22 =	sadd.s32 $0x80, s22;
	[tilespmem:s21+$0xFFFFFFE0] =	vst v5  }
0x89: {  	v5 =	vld [tilespmem:s23+$0xFFFFFFA0];
	p0 =	slt.u32 s22, $0xF80;
	[tilespmem:s21+$0xFFFFFFF0] =	vst v3  }
0x8a: {  	v3 =	vld [tilespmem:s23+$0xFFFFFFB0];
	[tilespmem:s21+$0x0] =	vst v0  }
0x8b: {  	v0 =	vld [tilespmem:s23+$0xFFFFFFC0];
	[tilespmem:s21+$0x10] =	vst v1  }
0x8c: {  	v1 =	vld [tilespmem:s23+$0xFFFFFFD0];
	[tilespmem:s21+$0x20] =	vst v2  }
0x8d: {  	v2 =	vld [tilespmem:s23+$0xFFFFFFE0];
	[tilespmem:s21+$0xFFFFFFC0] =	vst v4  }
0x8e: {  	v4 =	vld [tilespmem:s23+$0xFFFFFFF0]  }
0x8f: {  	v7 =	vld [tilespmem:s23+$0xFFFFFF90]  }
0x90: {  	v6 =	vld.idx.msk [tilespmem:v6+s3+$0x0], $0xffff  }
0x91: {  	v8 =	vld.idx.msk [tilespmem:v5+s3+$0x0], $0xffff  }
0x92: {  	v5 =	vld.idx.msk [tilespmem:v3+s3+$0x0], $0xffff  }
.Ltmp4:
0x93: {  	v3 =	vld.idx.msk [tilespmem:v0+s3+$0x0], $0xffff;
	(pc) =	sbr.rel @p0 .LBB2_10-.Ltmp4, $4  }
0x94: {  	v0 =	vld.idx.msk [tilespmem:v1+s3+$0x0], $0xffff  }
0x95: {  	s21 =	sadd.s32 $0x100, s21;
	v1 =	vld.idx.msk [tilespmem:v2+s3+$0x0], $0xffff  }
0x96: {  	v2 =	vld.idx.msk [tilespmem:v4+s3+$0x0], $0xffff;
	[tilespmem:s21+$0x30] =	vst v6  }
0x97: {  	s23 =	sadd.s32 $0x80, s23;
	v4 =	vld.idx.msk [tilespmem:v7+s3+$0x0], $0xffff;
	[tilespmem:s21+$0xFFFFFFD0] =	vst v8  }
0x98: {  	[tilespmem:s21+$0xFFFFFFE0] =	vst v5  }
0x99: {  	[tilespmem:s21+$0xFFFFFFF0] =	vst v3  }
0x9a: {  	[tilespmem:s21+$0x0] =	vst v0  }
0x9b: {  	[tilespmem:s21+$0x10] =	vst v1  }
0x9c: {  	s22 =	simm.s32 $0x1C700;
	[tilespmem:s21+$0x20] =	vst v2  }
0x9d: {  	s24 =	sadd.s32 $0x0, s7;
	s23 =	simm.s32 $0x1C800;
	[tilespmem:s21+$0xFFFFFFC0] =	vst v4;
	s21 =	simm.s32 $0x80  }
.LBB2_12:
0x9e: {  	[hbm4b:s24+s3] =	stream.linear.scatter [tilespmem:s22], [sflag:$0x1], $0x80, $0x38;
	[tilespmem:$0x1E700] =	vst v63  }
0x9f: {  	s24 =	smov.u32 s21;
	s22 =	smov.u32 s23;
	p0 =	sne.s32 s21, $0xF80  }
.Ltmp5:
0xa0: {  	s21 =	sadd.s32 $0x80, s21;
	(pc) =	sbr.rel @p0 .LBB2_12-.Ltmp5, $2  }
0xa1: {  	_ =	sdelay $0x2  }
0xa2: {  	s23 =	sadd.s32 $0x100, s23;
	s24 =	sadd.s32 s24, s7  }
0xa3: {  	[hbm4b:s24+s3] =	stream.linear.scatter [tilespmem:s22], [sflag:$0x1], $0x80, $0x38;
	[tilespmem:$0x1E700] =	vst v63  }
0xa4: {  	_ =	swait.ge [sflag:s19], $0x1000  }
0xa5: {  	[sflag:s19] =	ssyncset.done $0x0  }
0xa6: {  	s21 =	simm.s32 $0x1B770;
	[sflag:s19] =	ssyncadd.s32 $0xFFFFF000  }
0xa7: {  	v0 =	vld [tilespmem:s21+$0x0]  }
0xa8: {  	v1 =	vld [tilespmem:s21+$0xFFFFFFA0]  }
0xa9: {  	v2 =	vld [tilespmem:s21+$0xFFFFFFB0]  }
0xaa: {  	v3 =	vld [tilespmem:s21+$0xFFFFFFC0]  }
0xab: {  	v4 =	vld [tilespmem:s21+$0xFFFFFFD0]  }
0xac: {  	v6 =	vld [tilespmem:s21+$0xFFFFFFE0]  }
0xad: {  	v7 =	vld [tilespmem:s21+$0xFFFFFFF0]  }
0xae: {  	v8 =	vld [tilespmem:s21+$0xFFFFFF90]  }
0xaf: {  	v9 =	vld.idx.msk [tilespmem:v0+s3+$0x0], $0xffff  }
0xb0: {  	v10 =	vld.idx.msk [tilespmem:v1+s3+$0x0], $0xffff  }
0xb1: {  	v5 =	vld.idx.msk [tilespmem:v2+s3+$0x0], $0xffff  }
0xb2: {  	v3 =	vld.idx.msk [tilespmem:v3+s3+$0x0], $0xffff  }
0xb3: {  	v0 =	vld.idx.msk [tilespmem:v4+s3+$0x0], $0xffff  }
0xb4: {  	s21 =	simm.s32 $0x1C7F0;
	v1 =	vld.idx.msk [tilespmem:v6+s3+$0x0], $0xffff  }
0xb5: {  	v2 =	vld.idx.msk [tilespmem:v7+s3+$0x0], $0xffff;
	[tilespmem:s21+$0x0] =	vst v9  }
0xb6: {  	s22 =	simm.s32 $0x0;
	s23 =	simm.s32 $0x1B7F0;
	v4 =	vld.idx.msk [tilespmem:v8+s3+$0x0], $0xffff;
	[tilespmem:s21+$0xFFFFFFA0] =	vst v10  }
.LBB2_14:
0xb7: {  	v6 =	vld [tilespmem:s23+$0x0];
	s22 =	sadd.s32 $0x80, s22;
	[tilespmem:s21+$0xFFFFFFB0] =	vst v5  }
0xb8: {  	v5 =	vld [tilespmem:s23+$0xFFFFFFA0];
	p0 =	slt.u32 s22, $0xF80;
	[tilespmem:s21+$0xFFFFFFC0] =	vst v3  }
0xb9: {  	v3 =	vld [tilespmem:s23+$0xFFFFFFB0];
	[tilespmem:s21+$0xFFFFFFD0] =	vst v0  }
0xba: {  	v0 =	vld [tilespmem:s23+$0xFFFFFFC0];
	[tilespmem:s21+$0xFFFFFFE0] =	vst v1  }
0xbb: {  	v1 =	vld [tilespmem:s23+$0xFFFFFFD0];
	[tilespmem:s21+$0xFFFFFFF0] =	vst v2  }
0xbc: {  	v2 =	vld [tilespmem:s23+$0xFFFFFFE0];
	[tilespmem:s21+$0xFFFFFF90] =	vst v4  }
0xbd: {  	v4 =	vld [tilespmem:s23+$0xFFFFFFF0]  }
0xbe: {  	v7 =	vld [tilespmem:s23+$0xFFFFFF90]  }
0xbf: {  	v6 =	vld.idx.msk [tilespmem:v6+s3+$0x0], $0xffff  }
0xc0: {  	v8 =	vld.idx.msk [tilespmem:v5+s3+$0x0], $0xffff  }
0xc1: {  	v5 =	vld.idx.msk [tilespmem:v3+s3+$0x0], $0xffff  }
.Ltmp6:
0xc2: {  	v3 =	vld.idx.msk [tilespmem:v0+s3+$0x0], $0xffff;
	(pc) =	sbr.rel @p0 .LBB2_14-.Ltmp6, $4  }
0xc3: {  	v0 =	vld.idx.msk [tilespmem:v1+s3+$0x0], $0xffff  }
0xc4: {  	s21 =	sadd.s32 $0x100, s21;
	v1 =	vld.idx.msk [tilespmem:v2+s3+$0x0], $0xffff  }
0xc5: {  	v2 =	vld.idx.msk [tilespmem:v4+s3+$0x0], $0xffff;
	[tilespmem:s21+$0x0] =	vst v6  }
0xc6: {  	s23 =	sadd.s32 $0x80, s23;
	v4 =	vld.idx.msk [tilespmem:v7+s3+$0x0], $0xffff;
	[tilespmem:s21+$0xFFFFFFA0] =	vst v8  }
0xc7: {  	[tilespmem:s21+$0xFFFFFFB0] =	vst v5  }
0xc8: {  	[tilespmem:s21+$0xFFFFFFC0] =	vst v3  }
0xc9: {  	[tilespmem:s21+$0xFFFFFFD0] =	vst v0  }
0xca: {  	[tilespmem:s21+$0xFFFFFFE0] =	vst v1  }
0xcb: {  	s22 =	simm.s32 $0x1C780;
	[tilespmem:s21+$0xFFFFFFF0] =	vst v2  }
0xcc: {  	s24 =	sadd.s32 $0x0, s8;
	s23 =	simm.s32 $0x1C880;
	[tilespmem:s21+$0xFFFFFF90] =	vst v4;
	s21 =	simm.s32 $0x80  }
.LBB2_16:
0xcd: {  	[hbm4b:s24+s3] =	stream.linear.scatter [tilespmem:s22], [sflag:$0x1], $0x80, $0x38;
	[tilespmem:$0x1E700] =	vst v63  }
0xce: {  	s24 =	smov.u32 s21;
	s22 =	smov.u32 s23;
	p0 =	sne.s32 s21, $0xF80  }
.Ltmp7:
0xcf: {  	s21 =	sadd.s32 $0x80, s21;
	(pc) =	sbr.rel @p0 .LBB2_16-.Ltmp7, $2  }
0xd0: {  	_ =	sdelay $0x2  }
0xd1: {  	s23 =	sadd.s32 $0x100, s23;
	s24 =	sadd.s32 s24, s8  }
0xd2: {  	[hbm4b:s24+s3] =	stream.linear.scatter [tilespmem:s22], [sflag:$0x1], $0x80, $0x38;
	[tilespmem:$0x1E700] =	vst v63  }
0xd3: {  	_ = 	snop  }
0xd4: {  	[tilespmem:s3], [sflag:$0x2] =	stream.strided.gather [hbm4b:s9+s17], $0x18700, s18, s17, $0x38;
	[tilespmem:$0x1E700] =	vst v63  }
0xd5: {  	_ =	swait.ge [sflag:s16], $0x18700  }
0xd6: {  	[sflag:s16] =	ssyncset.done $0x0  }
0xd7: {  	[sflag:s16] =	ssyncadd.s32 $0xFFFE7900  }
0xd8: {  	_ =	swait.ge [sflag:s19], $0x1000  }
0xd9: {  	[sflag:s19] =	ssyncset.done $0x0  }
0xda: {  	s21 =	simm.s32 $0x18740;
	[sflag:s19] =	ssyncadd.s32 $0xFFFFF000  }
0xdb: {  	v0 =	vld [tilespmem:s21+$0x30]  }
0xdc: {  	v1 =	vld [tilespmem:s21+$0xFFFFFFD0]  }
0xdd: {  	v2 =	vld [tilespmem:s21+$0xFFFFFFE0]  }
0xde: {  	v3 =	vld [tilespmem:s21+$0xFFFFFFF0]  }
0xdf: {  	v4 =	vld [tilespmem:s21+$0x0]  }
0xe0: {  	v6 =	vld [tilespmem:s21+$0x10]  }
0xe1: {  	v7 =	vld [tilespmem:s21+$0x20]  }
0xe2: {  	v8 =	vld [tilespmem:s21+$0xFFFFFFC0]  }
0xe3: {  	v9 =	vld.idx.msk [tilespmem:v0+s3+$0x0], $0xffff  }
0xe4: {  	v10 =	vld.idx.msk [tilespmem:v1+s3+$0x0], $0xffff  }
0xe5: {  	v5 =	vld.idx.msk [tilespmem:v2+s3+$0x0], $0xffff  }
0xe6: {  	v3 =	vld.idx.msk [tilespmem:v3+s3+$0x0], $0xffff  }
0xe7: {  	v0 =	vld.idx.msk [tilespmem:v4+s3+$0x0], $0xffff  }
0xe8: {  	s21 =	simm.s32 $0x1C740;
	v1 =	vld.idx.msk [tilespmem:v6+s3+$0x0], $0xffff  }
0xe9: {  	v2 =	vld.idx.msk [tilespmem:v7+s3+$0x0], $0xffff;
	[tilespmem:s21+$0x30] =	vst v9  }
0xea: {  	s22 =	simm.s32 $0x0;
	s23 =	simm.s32 $0x187C0;
	v4 =	vld.idx.msk [tilespmem:v8+s3+$0x0], $0xffff;
	[tilespmem:s21+$0xFFFFFFD0] =	vst v10  }
.LBB2_18:
0xeb: {  	v6 =	vld [tilespmem:s23+$0x30];
	s22 =	sadd.s32 $0x80, s22;
	[tilespmem:s21+$0xFFFFFFE0] =	vst v5  }
0xec: {  	v5 =	vld [tilespmem:s23+$0xFFFFFFD0];
	p0 =	slt.u32 s22, $0xF80;
	[tilespmem:s21+$0xFFFFFFF0] =	vst v3  }
0xed: {  	v3 =	vld [tilespmem:s23+$0xFFFFFFE0];
	[tilespmem:s21+$0x0] =	vst v0  }
0xee: {  	v0 =	vld [tilespmem:s23+$0xFFFFFFF0];
	[tilespmem:s21+$0x10] =	vst v1  }
0xef: {  	v1 =	vld [tilespmem:s23+$0x0];
	[tilespmem:s21+$0x20] =	vst v2  }
0xf0: {  	v2 =	vld [tilespmem:s23+$0x10];
	[tilespmem:s21+$0xFFFFFFC0] =	vst v4  }
0xf1: {  	v4 =	vld [tilespmem:s23+$0x20]  }
0xf2: {  	v7 =	vld [tilespmem:s23+$0xFFFFFFC0]  }
0xf3: {  	v6 =	vld.idx.msk [tilespmem:v6+s3+$0x0], $0xffff  }
0xf4: {  	v8 =	vld.idx.msk [tilespmem:v5+s3+$0x0], $0xffff  }
0xf5: {  	v5 =	vld.idx.msk [tilespmem:v3+s3+$0x0], $0xffff  }
.Ltmp8:
0xf6: {  	v3 =	vld.idx.msk [tilespmem:v0+s3+$0x0], $0xffff;
	(pc) =	sbr.rel @p0 .LBB2_18-.Ltmp8, $4  }
0xf7: {  	v0 =	vld.idx.msk [tilespmem:v1+s3+$0x0], $0xffff  }
0xf8: {  	s21 =	sadd.s32 $0x100, s21;
	v1 =	vld.idx.msk [tilespmem:v2+s3+$0x0], $0xffff  }
0xf9: {  	v2 =	vld.idx.msk [tilespmem:v4+s3+$0x0], $0xffff;
	[tilespmem:s21+$0x30] =	vst v6  }
0xfa: {  	s23 =	sadd.s32 $0x80, s23;
	v4 =	vld.idx.msk [tilespmem:v7+s3+$0x0], $0xffff;
	[tilespmem:s21+$0xFFFFFFD0] =	vst v8  }
0xfb: {  	[tilespmem:s21+$0xFFFFFFE0] =	vst v5  }
0xfc: {  	[tilespmem:s21+$0xFFFFFFF0] =	vst v3  }
0xfd: {  	[tilespmem:s21+$0x0] =	vst v0  }
0xfe: {  	[tilespmem:s21+$0x10] =	vst v1  }
0xff: {  	s22 =	simm.s32 $0x1C700;
	[tilespmem:s21+$0x20] =	vst v2  }
0x100: {  	s24 =	sadd.s32 $0x0, s10;
	s23 =	simm.s32 $0x1C800;
	[tilespmem:s21+$0xFFFFFFC0] =	vst v4;
	s21 =	simm.s32 $0x80  }
.LBB2_20:
0x101: {  	[hbm4b:s24+s3] =	stream.linear.scatter [tilespmem:s22], [sflag:$0x1], $0x80, $0x38;
	[tilespmem:$0x1E700] =	vst v63  }
0x102: {  	s24 =	smov.u32 s21;
	s22 =	smov.u32 s23;
	p0 =	sne.s32 s21, $0xF80  }
.Ltmp9:
0x103: {  	s21 =	sadd.s32 $0x80, s21;
	(pc) =	sbr.rel @p0 .LBB2_20-.Ltmp9, $2  }
0x104: {  	_ =	sdelay $0x2  }
0x105: {  	s23 =	sadd.s32 $0x100, s23;
	s24 =	sadd.s32 s24, s10  }
0x106: {  	[hbm4b:s24+s3] =	stream.linear.scatter [tilespmem:s22], [sflag:$0x1], $0x80, $0x38;
	[tilespmem:$0x1E700] =	vst v63  }
0x107: {  	_ =	swait.ge [sflag:s19], $0x1000  }
0x108: {  	[sflag:s19] =	ssyncset.done $0x0  }
0x109: {  	s21 =	simm.s32 $0x19770;
	[sflag:s19] =	ssyncadd.s32 $0xFFFFF000  }
0x10a: {  	v0 =	vld [tilespmem:s21+$0x0]  }
0x10b: {  	v1 =	vld [tilespmem:s21+$0xFFFFFFA0]  }
0x10c: {  	v2 =	vld [tilespmem:s21+$0xFFFFFFB0]  }
0x10d: {  	v3 =	vld [tilespmem:s21+$0xFFFFFFC0]  }
0x10e: {  	v4 =	vld [tilespmem:s21+$0xFFFFFFD0]  }
0x10f: {  	v6 =	vld [tilespmem:s21+$0xFFFFFFE0]  }
0x110: {  	v7 =	vld [tilespmem:s21+$0xFFFFFFF0]  }
0x111: {  	v8 =	vld [tilespmem:s21+$0xFFFFFF90]  }
0x112: {  	v9 =	vld.idx.msk [tilespmem:v0+s3+$0x0], $0xffff  }
0x113: {  	v10 =	vld.idx.msk [tilespmem:v1+s3+$0x0], $0xffff  }
0x114: {  	v5 =	vld.idx.msk [tilespmem:v2+s3+$0x0], $0xffff  }
0x115: {  	v3 =	vld.idx.msk [tilespmem:v3+s3+$0x0], $0xffff  }
0x116: {  	v0 =	vld.idx.msk [tilespmem:v4+s3+$0x0], $0xffff  }
0x117: {  	s21 =	simm.s32 $0x1C7F0;
	v1 =	vld.idx.msk [tilespmem:v6+s3+$0x0], $0xffff  }
0x118: {  	v2 =	vld.idx.msk [tilespmem:v7+s3+$0x0], $0xffff;
	[tilespmem:s21+$0x0] =	vst v9  }
0x119: {  	s22 =	simm.s32 $0x0;
	s23 =	simm.s32 $0x197F0;
	v4 =	vld.idx.msk [tilespmem:v8+s3+$0x0], $0xffff;
	[tilespmem:s21+$0xFFFFFFA0] =	vst v10  }
.LBB2_22:
0x11a: {  	v6 =	vld [tilespmem:s23+$0x0];
	s22 =	sadd.s32 $0x80, s22;
	[tilespmem:s21+$0xFFFFFFB0] =	vst v5  }
0x11b: {  	v5 =	vld [tilespmem:s23+$0xFFFFFFA0];
	p0 =	slt.u32 s22, $0xF80;
	[tilespmem:s21+$0xFFFFFFC0] =	vst v3  }
0x11c: {  	v3 =	vld [tilespmem:s23+$0xFFFFFFB0];
	[tilespmem:s21+$0xFFFFFFD0] =	vst v0  }
0x11d: {  	v0 =	vld [tilespmem:s23+$0xFFFFFFC0];
	[tilespmem:s21+$0xFFFFFFE0] =	vst v1  }
0x11e: {  	v1 =	vld [tilespmem:s23+$0xFFFFFFD0];
	[tilespmem:s21+$0xFFFFFFF0] =	vst v2  }
0x11f: {  	v2 =	vld [tilespmem:s23+$0xFFFFFFE0];
	[tilespmem:s21+$0xFFFFFF90] =	vst v4  }
0x120: {  	v4 =	vld [tilespmem:s23+$0xFFFFFFF0]  }
0x121: {  	v7 =	vld [tilespmem:s23+$0xFFFFFF90]  }
0x122: {  	v6 =	vld.idx.msk [tilespmem:v6+s3+$0x0], $0xffff  }
0x123: {  	v8 =	vld.idx.msk [tilespmem:v5+s3+$0x0], $0xffff  }
0x124: {  	v5 =	vld.idx.msk [tilespmem:v3+s3+$0x0], $0xffff  }
.Ltmp10:
0x125: {  	v3 =	vld.idx.msk [tilespmem:v0+s3+$0x0], $0xffff;
	(pc) =	sbr.rel @p0 .LBB2_22-.Ltmp10, $4  }
0x126: {  	v0 =	vld.idx.msk [tilespmem:v1+s3+$0x0], $0xffff  }
0x127: {  	s21 =	sadd.s32 $0x100, s21;
	v1 =	vld.idx.msk [tilespmem:v2+s3+$0x0], $0xffff  }
0x128: {  	v2 =	vld.idx.msk [tilespmem:v4+s3+$0x0], $0xffff;
	[tilespmem:s21+$0x0] =	vst v6  }
0x129: {  	s23 =	sadd.s32 $0x80, s23;
	v4 =	vld.idx.msk [tilespmem:v7+s3+$0x0], $0xffff;
	[tilespmem:s21+$0xFFFFFFA0] =	vst v8  }
0x12a: {  	[tilespmem:s21+$0xFFFFFFB0] =	vst v5  }
0x12b: {  	[tilespmem:s21+$0xFFFFFFC0] =	vst v3  }
0x12c: {  	[tilespmem:s21+$0xFFFFFFD0] =	vst v0  }
0x12d: {  	[tilespmem:s21+$0xFFFFFFE0] =	vst v1  }
0x12e: {  	s22 =	simm.s32 $0x1C780;
	[tilespmem:s21+$0xFFFFFFF0] =	vst v2  }
0x12f: {  	s24 =	sadd.s32 $0x0, s11;
	s23 =	simm.s32 $0x1C880;
	[tilespmem:s21+$0xFFFFFF90] =	vst v4;
	s21 =	simm.s32 $0x80  }
.LBB2_24:
0x130: {  	[hbm4b:s24+s3] =	stream.linear.scatter [tilespmem:s22], [sflag:$0x1], $0x80, $0x38;
	[tilespmem:$0x1E700] =	vst v63  }
0x131: {  	s24 =	smov.u32 s21;
	s22 =	smov.u32 s23;
	p0 =	sne.s32 s21, $0xF80  }
.Ltmp11:
0x132: {  	s21 =	sadd.s32 $0x80, s21;
	(pc) =	sbr.rel @p0 .LBB2_24-.Ltmp11, $2  }
0x133: {  	_ =	sdelay $0x2  }
0x134: {  	s23 =	sadd.s32 $0x100, s23;
	s24 =	sadd.s32 s24, s11  }
0x135: {  	[hbm4b:s24+s3] =	stream.linear.scatter [tilespmem:s22], [sflag:$0x1], $0x80, $0x38;
	[tilespmem:$0x1E700] =	vst v63  }
0x136: {  	_ =	swait.ge [sflag:s19], $0x1000  }
0x137: {  	[sflag:s19] =	ssyncset.done $0x0  }
0x138: {  	s21 =	simm.s32 $0x1A770;
	[sflag:s19] =	ssyncadd.s32 $0xFFFFF000  }
0x139: {  	v0 =	vld [tilespmem:s21+$0x0]  }
0x13a: {  	v1 =	vld [tilespmem:s21+$0xFFFFFFA0]  }
0x13b: {  	v2 =	vld [tilespmem:s21+$0xFFFFFFB0]  }
0x13c: {  	v3 =	vld [tilespmem:s21+$0xFFFFFFC0]  }
0x13d: {  	v4 =	vld [tilespmem:s21+$0xFFFFFFD0]  }
0x13e: {  	v6 =	vld [tilespmem:s21+$0xFFFFFFE0]  }
0x13f: {  	v7 =	vld [tilespmem:s21+$0xFFFFFFF0]  }
0x140: {  	v8 =	vld [tilespmem:s21+$0xFFFFFF90]  }
0x141: {  	v9 =	vld.idx.msk [tilespmem:v0+s3+$0x0], $0xffff  }
0x142: {  	v10 =	vld.idx.msk [tilespmem:v1+s3+$0x0], $0xffff  }
0x143: {  	v5 =	vld.idx.msk [tilespmem:v2+s3+$0x0], $0xffff  }
0x144: {  	v3 =	vld.idx.msk [tilespmem:v3+s3+$0x0], $0xffff  }
0x145: {  	v0 =	vld.idx.msk [tilespmem:v4+s3+$0x0], $0xffff  }
0x146: {  	s21 =	simm.s32 $0x1C740;
	v1 =	vld.idx.msk [tilespmem:v6+s3+$0x0], $0xffff  }
0x147: {  	v2 =	vld.idx.msk [tilespmem:v7+s3+$0x0], $0xffff;
	[tilespmem:s21+$0x30] =	vst v9  }
0x148: {  	s22 =	simm.s32 $0x0;
	s23 =	simm.s32 $0x1A7F0;
	v4 =	vld.idx.msk [tilespmem:v8+s3+$0x0], $0xffff;
	[tilespmem:s21+$0xFFFFFFD0] =	vst v10  }
.LBB2_26:
0x149: {  	v6 =	vld [tilespmem:s23+$0x0];
	s22 =	sadd.s32 $0x80, s22;
	[tilespmem:s21+$0xFFFFFFE0] =	vst v5  }
0x14a: {  	v5 =	vld [tilespmem:s23+$0xFFFFFFA0];
	p0 =	slt.u32 s22, $0xF80;
	[tilespmem:s21+$0xFFFFFFF0] =	vst v3  }
0x14b: {  	v3 =	vld [tilespmem:s23+$0xFFFFFFB0];
	[tilespmem:s21+$0x0] =	vst v0  }
0x14c: {  	v0 =	vld [tilespmem:s23+$0xFFFFFFC0];
	[tilespmem:s21+$0x10] =	vst v1  }
0x14d: {  	v1 =	vld [tilespmem:s23+$0xFFFFFFD0];
	[tilespmem:s21+$0x20] =	vst v2  }
0x14e: {  	v2 =	vld [tilespmem:s23+$0xFFFFFFE0];
	[tilespmem:s21+$0xFFFFFFC0] =	vst v4  }
0x14f: {  	v4 =	vld [tilespmem:s23+$0xFFFFFFF0]  }
0x150: {  	v7 =	vld [tilespmem:s23+$0xFFFFFF90]  }
0x151: {  	v6 =	vld.idx.msk [tilespmem:v6+s3+$0x0], $0xffff  }
0x152: {  	v8 =	vld.idx.msk [tilespmem:v5+s3+$0x0], $0xffff  }
0x153: {  	v5 =	vld.idx.msk [tilespmem:v3+s3+$0x0], $0xffff  }
.Ltmp12:
0x154: {  	v3 =	vld.idx.msk [tilespmem:v0+s3+$0x0], $0xffff;
	(pc) =	sbr.rel @p0 .LBB2_26-.Ltmp12, $4  }
0x155: {  	v0 =	vld.idx.msk [tilespmem:v1+s3+$0x0], $0xffff  }
0x156: {  	s21 =	sadd.s32 $0x100, s21;
	v1 =	vld.idx.msk [tilespmem:v2+s3+$0x0], $0xffff  }
0x157: {  	v2 =	vld.idx.msk [tilespmem:v4+s3+$0x0], $0xffff;
	[tilespmem:s21+$0x30] =	vst v6  }
0x158: {  	s23 =	sadd.s32 $0x80, s23;
	v4 =	vld.idx.msk [tilespmem:v7+s3+$0x0], $0xffff;
	[tilespmem:s21+$0xFFFFFFD0] =	vst v8  }
0x159: {  	[tilespmem:s21+$0xFFFFFFE0] =	vst v5  }
0x15a: {  	[tilespmem:s21+$0xFFFFFFF0] =	vst v3  }
0x15b: {  	[tilespmem:s21+$0x0] =	vst v0  }
0x15c: {  	[tilespmem:s21+$0x10] =	vst v1  }
0x15d: {  	s22 =	simm.s32 $0x1C700;
	[tilespmem:s21+$0x20] =	vst v2  }
0x15e: {  	s24 =	sadd.s32 $0x0, s12;
	s23 =	simm.s32 $0x1C800;
	[tilespmem:s21+$0xFFFFFFC0] =	vst v4;
	s21 =	simm.s32 $0x80  }
.LBB2_28:
0x15f: {  	[hbm4b:s24+s3] =	stream.linear.scatter [tilespmem:s22], [sflag:$0x1], $0x80, $0x38;
	[tilespmem:$0x1E700] =	vst v63  }
0x160: {  	s24 =	smov.u32 s21;
	s22 =	smov.u32 s23;
	p0 =	sne.s32 s21, $0xF80  }
.Ltmp13:
0x161: {  	s21 =	sadd.s32 $0x80, s21;
	(pc) =	sbr.rel @p0 .LBB2_28-.Ltmp13, $2  }
0x162: {  	_ =	sdelay $0x2  }
0x163: {  	s23 =	sadd.s32 $0x100, s23;
	s24 =	sadd.s32 s24, s12  }
0x164: {  	[hbm4b:s24+s3] =	stream.linear.scatter [tilespmem:s22], [sflag:$0x1], $0x80, $0x38;
	[tilespmem:$0x1E700] =	vst v63  }
0x165: {  	_ =	swait.ge [sflag:s19], $0x1000  }
0x166: {  	[sflag:s19] =	ssyncset.done $0x0  }
0x167: {  	s21 =	simm.s32 $0x1B770;
	[sflag:s19] =	ssyncadd.s32 $0xFFFFF000  }
0x168: {  	v0 =	vld [tilespmem:s21+$0x0]  }
0x169: {  	v1 =	vld [tilespmem:s21+$0xFFFFFFA0]  }
0x16a: {  	v2 =	vld [tilespmem:s21+$0xFFFFFFB0]  }
0x16b: {  	v3 =	vld [tilespmem:s21+$0xFFFFFFC0]  }
0x16c: {  	v4 =	vld [tilespmem:s21+$0xFFFFFFD0]  }
0x16d: {  	v6 =	vld [tilespmem:s21+$0xFFFFFFE0]  }
0x16e: {  	v7 =	vld [tilespmem:s21+$0xFFFFFFF0]  }
0x16f: {  	v8 =	vld [tilespmem:s21+$0xFFFFFF90]  }
0x170: {  	v9 =	vld.idx.msk [tilespmem:v0+s3+$0x0], $0xffff  }
0x171: {  	v10 =	vld.idx.msk [tilespmem:v1+s3+$0x0], $0xffff  }
0x172: {  	v5 =	vld.idx.msk [tilespmem:v2+s3+$0x0], $0xffff  }
0x173: {  	v3 =	vld.idx.msk [tilespmem:v3+s3+$0x0], $0xffff  }
0x174: {  	v0 =	vld.idx.msk [tilespmem:v4+s3+$0x0], $0xffff  }
0x175: {  	s21 =	simm.s32 $0x1C7F0;
	v1 =	vld.idx.msk [tilespmem:v6+s3+$0x0], $0xffff  }
0x176: {  	v2 =	vld.idx.msk [tilespmem:v7+s3+$0x0], $0xffff;
	[tilespmem:s21+$0x0] =	vst v9  }
0x177: {  	s22 =	simm.s32 $0x0;
	s23 =	simm.s32 $0x1B7F0;
	v4 =	vld.idx.msk [tilespmem:v8+s3+$0x0], $0xffff;
	[tilespmem:s21+$0xFFFFFFA0] =	vst v10  }
.LBB2_30:
0x178: {  	v6 =	vld [tilespmem:s23+$0x0];
	s22 =	sadd.s32 $0x80, s22;
	[tilespmem:s21+$0xFFFFFFB0] =	vst v5  }
0x179: {  	v5 =	vld [tilespmem:s23+$0xFFFFFFA0];
	p0 =	slt.u32 s22, $0xF80;
	[tilespmem:s21+$0xFFFFFFC0] =	vst v3  }
0x17a: {  	v3 =	vld [tilespmem:s23+$0xFFFFFFB0];
	[tilespmem:s21+$0xFFFFFFD0] =	vst v0  }
0x17b: {  	v0 =	vld [tilespmem:s23+$0xFFFFFFC0];
	[tilespmem:s21+$0xFFFFFFE0] =	vst v1  }
0x17c: {  	v1 =	vld [tilespmem:s23+$0xFFFFFFD0];
	[tilespmem:s21+$0xFFFFFFF0] =	vst v2  }
0x17d: {  	v2 =	vld [tilespmem:s23+$0xFFFFFFE0];
	[tilespmem:s21+$0xFFFFFF90] =	vst v4  }
0x17e: {  	v4 =	vld [tilespmem:s23+$0xFFFFFFF0]  }
0x17f: {  	v7 =	vld [tilespmem:s23+$0xFFFFFF90]  }
0x180: {  	v6 =	vld.idx.msk [tilespmem:v6+s3+$0x0], $0xffff  }
0x181: {  	v8 =	vld.idx.msk [tilespmem:v5+s3+$0x0], $0xffff  }
0x182: {  	v5 =	vld.idx.msk [tilespmem:v3+s3+$0x0], $0xffff  }
.Ltmp14:
0x183: {  	v3 =	vld.idx.msk [tilespmem:v0+s3+$0x0], $0xffff;
	(pc) =	sbr.rel @p0 .LBB2_30-.Ltmp14, $4  }
0x184: {  	v0 =	vld.idx.msk [tilespmem:v1+s3+$0x0], $0xffff  }
0x185: {  	s21 =	sadd.s32 $0x100, s21;
	v1 =	vld.idx.msk [tilespmem:v2+s3+$0x0], $0xffff  }
0x186: {  	v2 =	vld.idx.msk [tilespmem:v4+s3+$0x0], $0xffff;
	[tilespmem:s21+$0x0] =	vst v6  }
0x187: {  	s23 =	sadd.s32 $0x80, s23;
	v4 =	vld.idx.msk [tilespmem:v7+s3+$0x0], $0xffff;
	[tilespmem:s21+$0xFFFFFFA0] =	vst v8  }
0x188: {  	[tilespmem:s21+$0xFFFFFFB0] =	vst v5  }
0x189: {  	[tilespmem:s21+$0xFFFFFFC0] =	vst v3  }
0x18a: {  	[tilespmem:s21+$0xFFFFFFD0] =	vst v0  }
0x18b: {  	[tilespmem:s21+$0xFFFFFFE0] =	vst v1  }
0x18c: {  	s22 =	simm.s32 $0x1C780;
	[tilespmem:s21+$0xFFFFFFF0] =	vst v2  }
0x18d: {  	s24 =	sadd.s32 $0x0, s13;
	s23 =	simm.s32 $0x1C880;
	[tilespmem:s21+$0xFFFFFF90] =	vst v4;
	s21 =	simm.s32 $0x80  }
.LBB2_32:
0x18e: {  	[hbm4b:s24+s3] =	stream.linear.scatter [tilespmem:s22], [sflag:$0x1], $0x80, $0x38;
	[tilespmem:$0x1E700] =	vst v63  }
0x18f: {  	s24 =	smov.u32 s21;
	s22 =	smov.u32 s23;
	p0 =	sne.s32 s21, $0xF80  }
.Ltmp15:
0x190: {  	s21 =	sadd.s32 $0x80, s21;
	(pc) =	sbr.rel @p0 .LBB2_32-.Ltmp15, $2  }
0x191: {  	_ =	sdelay $0x2  }
0x192: {  	s23 =	sadd.s32 $0x100, s23;
	s24 =	sadd.s32 s24, s13  }
0x193: {  	[hbm4b:s24+s3] =	stream.linear.scatter [tilespmem:s22], [sflag:$0x1], $0x80, $0x38;
	[tilespmem:$0x1E700] =	vst v63  }
0x194: {  	s20 =	sadd.s32 $0x1, s20  }
0x195: {  	_ =	swait.ge [sflag:s19], $0x1000;
	p0 =	sne.s32 s20, s14  }
.Ltmp16:
0x196: {  	[sflag:s19] =	ssyncset.done $0x0;
	(pc) =	sbr.rel @p0 .LBB2_1-.Ltmp16, $4  }
0x197: {  	[sflag:s19] =	ssyncadd.s32 $0xFFFFF000  }
0x198: {  	_ =	swait.ge [sflag:s19], $0x1000  }
0x199: {  	[sflag:s19] =	ssyncset.done $0x0  }
0x19a: {  	[sflag:s19] =	ssyncadd.s32 $0xFFFFF000  }
0x19b: {  	_ =	sfence.sel $0x180000  }
0x19c: {  	[bflag:$0x0] =	sbarrier.arrive $0xFFFF  }
0x19d: {  	p0 =	sne.s32 s2, $0x0;
	_ =	strace $0x90000047  }
0x19e: {  	s0 =	sadd.s32 @!p0 $0x100000, s0;
	[bflag:$0x2] =	sbarrier.arrive $0xFFFF  }
0x19f: {  	[sflag:s0] =	ssyncadd.tile.s32 @!p0 $0x1;
	_ =	shalt  }
.Lfunc_end2:
_tile_overlayer_lowered:
.L_overlay_start_2:
0x1a0: {  	(tag) =	ssettag $0x2  }
0x1a1: {  	s0 =	rddreg [dreg:$0x0];
	s2 =	stileid.u32  }
0x1a2: {  	s1 =	rddreg [dreg:$0x1];
	p0 =	sne.s32 s2, $0x0  }
0x1a3: {  	s3 =	rddreg [dreg:$0x2];
	[bflag:$0x3] =	sbarrier.arrive $0xFFFF;
	s2 =	simm.s32 @!p0 $0x1C02  }
0x1a4: {  	[timem:s3], [sflag:s2] =	dma.local @!p0 [hbm:s0], s1  }
0x1a5: {  	s0 =	simm.s32 @!p0 $0x2  }
0x1a6: {  	_ =	swait.ge @!p0 [sflag:s0], s1  }
0x1a7: {  	s1 =	ssub.s32 @!p0 $0x0, s1;
	[sflag:s0] =	ssyncset.done @!p0 $0x0  }
0x1a8: {  	[sflag:s0] =	ssyncadd.s32 @!p0 s1  }
0x1a9: {  	[bflag:$0x3] =	sbarrier.arrive $0xFFFF  }
0x1aa: {  	_ =	shalt  }

</sc_bundles>
